<compile_context>
chip_gen: v7x
topology: tpu7x:2x2x1
jax: 0.10.2.dev20260603
libtpu: 0.0.44.dev20260713+nightly
codegen_flags: <defaults>
</compile_context>

<pallas_src>
import functools

import jax
import jax.numpy as jnp
from jax import lax
from jax.experimental import pallas as pl
from jax.experimental.pallas import tpu as pltpu
from jax.experimental.pallas import tpu_sc as plsc

BATCH = 16384
N_ITEMS = 1000000

_NS = 16
_LANES = 16

_B_PER_W = BATCH // _NS
_CHUNKS = (512, 512)
_OFFS = tuple(sum(_CHUNKS[:j]) for j in range(len(_CHUNKS)))
assert sum(_CHUNKS) == _B_PER_W
_N_CHUNKS = len(_CHUNKS)


@functools.partial(
    pl.kernel,
    mesh=plsc.VectorSubcoreMesh(
        core_axis_name="c", subcore_axis_name="s", num_cores=1
    ),
    out_type=jax.ShapeDtypeStruct((BATCH,), jnp.float32),
    scratch_types=[
        pltpu.VMEM((_B_PER_W,), jnp.int32),
        pltpu.VMEM((_B_PER_W,), jnp.float32),
        pltpu.VMEM((_B_PER_W,), jnp.float32),
        pltpu.SemaphoreType.DMA((_N_CHUNKS,)),
        pltpu.SemaphoreType.DMA((_N_CHUNKS,)),
        pltpu.SemaphoreType.DMA,
    ],
)
def _sc_lookup_sigmoid(idx_hbm, table_hbm, out_hbm, idx_v, rows_v, res_v,
                       isems, gsems, osem):
    wid = lax.axis_index("s")
    base = wid * _B_PER_W

    idx_copies = []
    for j in range(_N_CHUNKS):
        sl = pl.ds(_OFFS[j], _CHUNKS[j])
        idx_copies.append(
            pltpu.async_copy(
                idx_hbm.at[pl.ds(base + _OFFS[j], _CHUNKS[j])],
                idx_v.at[sl],
                isems.at[j],
            )
        )

    gathers = []
    for j in range(_N_CHUNKS):
        sl = pl.ds(_OFFS[j], _CHUNKS[j])
        idx_copies[j].wait()
        gathers.append(
            pltpu.async_copy(
                table_hbm.at[idx_v.at[sl]], rows_v.at[sl], gsems.at[j]
            )
        )

    outs = []
    for j in range(_N_CHUNKS):
        gathers[j].wait()
        sls = [
            pl.ds(_OFFS[j] + i * _LANES, _LANES)
            for i in range(_CHUNKS[j] // _LANES)
        ]
        xs = [rows_v[sl] for sl in sls]
        es = [jnp.exp(-x) for x in xs]
        rs = [1.0 / (1.0 + e) for e in es]
        for sl, r in zip(sls, rs):
            res_v[sl] = r
        outs.append(
            pltpu.async_copy(
                res_v.at[pl.ds(_OFFS[j], _CHUNKS[j])],
                out_hbm.at[pl.ds(base + _OFFS[j], _CHUNKS[j])],
                osem,
            )
        )
    for c in outs:
        c.wait()


def kernel(user_ids, item_ids, item_emb_weight):
    del user_ids
    idx = item_ids.astype(jnp.int32)
    table = item_emb_weight.reshape((N_ITEMS,))
    return _sc_lookup_sigmoid(idx, table)

# --- scband reference (transcript-rebuilt; emitter-appended) ---
"""Pipeline reference for scband-item-param-33517924778054 (READ-ONLY COPY).

The authoritative reference and input builder live on the scoring server;
editing this copy changes nothing except your own understanding.
"""

import jax, jax.numpy as jnp
import numpy as np

N_ITEMS = 1000000
BATCH = 16384

def setup_inputs(seed: int = 0) -> dict:
    key = jax.random.key(seed)
    k1, k2 = jax.random.split(key)
    user_ids = jax.random.randint(k1, (BATCH,), 0, N_ITEMS, dtype=jnp.int64 if jax.config.jax_enable_x64 else jnp.int32)
    item_ids = jax.random.randint(k2, (BATCH,), 0, N_ITEMS, dtype=jnp.int64 if jax.config.jax_enable_x64 else jnp.int32)
    # nn.init.zeros_ on the embedding weight
    item_emb_weight = jnp.zeros((N_ITEMS, 1), dtype=jnp.float32)
    return {"user_ids": user_ids, "item_ids": item_ids, "item_emb_weight": item_emb_weight}

def reference(user_ids, item_ids, item_emb_weight):
    # self.item_emb(item_ids) -> gather rows, shape [B, 1]
    emb = jnp.take(item_emb_weight, item_ids, axis=0)
    # .squeeze() -> [B]
    out = jnp.squeeze(emb)
    return jax.nn.sigmoid(out)

if __name__ == "__main__":
    import jax
    _d = setup_inputs()
    print(jax.jit(kernel)(*tuple(_d.values())))

</pallas_src>

<mosaic_0001>
#map = affine_map<(d0, d1) -> (0)>
module attributes {stable_mosaic.version = 14 : i64} {
  func.func @_sc_lookup_sigmoid(%arg0: i32, %arg1: i32, %arg2: memref<16384xi32, #tpu.memory_space<hbm>>, %arg3: memref<1000000xf32, #tpu.memory_space<hbm>>, %arg4: memref<16384xf32, #tpu.memory_space<hbm>>, %arg5: memref<1024xi32, #tpu.memory_space<vmem>>, %arg6: memref<1024xf32, #tpu.memory_space<vmem>>, %arg7: memref<1024xf32, #tpu.memory_space<vmem>>, %arg8: memref<2x!tpu.dma_semaphore, #tpu.memory_space<semaphore_mem>>, %arg9: memref<2x!tpu.dma_semaphore, #tpu.memory_space<semaphore_mem>>, %arg10: memref<!tpu.dma_semaphore, #tpu.memory_space<semaphore_mem>>) attributes {dimension_semantics = [#tpu.dimension_semantics<core_parallel>, #tpu.dimension_semantics<subcore_parallel>], iteration_bounds = array<i64: 1, 16>, scalar_prefetch = 0 : i64, scratch_operands = 6 : i64, tpu.core_type = #tpu.core_type<sc_vector_subcore>, window_params = [{transform_indices = #map}, {transform_indices = #map}, {transform_indices = #map}]} {
    %mul3A = arith.constant 1024 : i32
    %mul3A_0 = arith.muli %arg1, %mul3A : i32
    %add3A = arith.constant 0 : i32
    %add3A_1 = arith.addi %mul3A_0, %add3A : i32
    %dma_start3A = arith.constant 0 : i32
    %dma_start3A_2 = arith.constant 0 : i32
    %dma_start3A_3 = tpu.memref_slice %arg5[%dma_start3A_2] : memref<1024xi32, #tpu.memory_space<vmem>> -> memref<512xi32, #tpu.memory_space<vmem>>
    %dma_start3A_4 = tpu.memref_slice %arg2[%add3A_1] : memref<16384xi32, #tpu.memory_space<hbm>> -> memref<512xi32, #tpu.memory_space<hbm>>
    %dma_start3A_5 = tpu.memref_slice %arg8[%dma_start3A] : memref<2x!tpu.dma_semaphore, #tpu.memory_space<semaphore_mem>> -> memref<1x!tpu.dma_semaphore, #tpu.memory_space<semaphore_mem>>
    %dma_start3A_6 = tpu.memref_squeeze %dma_start3A_5 : memref<1x!tpu.dma_semaphore, #tpu.memory_space<semaphore_mem>> -> memref<!tpu.dma_semaphore, #tpu.memory_space<semaphore_mem>>
    %dma_start3A_7 = arith.constant 0 : i32
    %dma_start3A_8 = tpu.memref_slice %arg5[%dma_start3A_7] : memref<1024xi32, #tpu.memory_space<vmem>> -> memref<512xi32, #tpu.memory_space<vmem>>
    %dma_start3A_9 = tpu.memref_slice %arg2[%add3A_1] : memref<16384xi32, #tpu.memory_space<hbm>> -> memref<512xi32, #tpu.memory_space<hbm>>
    tpu.enqueue_dma source(%dma_start3A_9 : memref<512xi32, #tpu.memory_space<hbm>>) target(%dma_start3A_8 : memref<512xi32, #tpu.memory_space<vmem>>) target_semaphore(%dma_start3A_6 : memref<!tpu.dma_semaphore, #tpu.memory_space<semaphore_mem>>)
    %add3A_10 = arith.constant 512 : i32
    %add3A_11 = arith.addi %mul3A_0, %add3A_10 : i32
    %dma_start3A_12 = arith.constant 1 : i32
    %dma_start3A_13 = arith.constant 512 : i32
    %dma_start3A_14 = tpu.memref_slice %arg5[%dma_start3A_13] : memref<1024xi32, #tpu.memory_space<vmem>> -> memref<512xi32, #tpu.memory_space<vmem>>
    %dma_start3A_15 = tpu.memref_slice %arg2[%add3A_11] : memref<16384xi32, #tpu.memory_space<hbm>> -> memref<512xi32, #tpu.memory_space<hbm>>
    %dma_start3A_16 = tpu.memref_slice %arg8[%dma_start3A_12] : memref<2x!tpu.dma_semaphore, #tpu.memory_space<semaphore_mem>> -> memref<1x!tpu.dma_semaphore, #tpu.memory_space<semaphore_mem>>
    %dma_start3A_17 = tpu.memref_squeeze %dma_start3A_16 : memref<1x!tpu.dma_semaphore, #tpu.memory_space<semaphore_mem>> -> memref<!tpu.dma_semaphore, #tpu.memory_space<semaphore_mem>>
    %dma_start3A_18 = arith.constant 512 : i32
    %dma_start3A_19 = tpu.memref_slice %arg5[%dma_start3A_18] : memref<1024xi32, #tpu.memory_space<vmem>> -> memref<512xi32, #tpu.memory_space<vmem>>
    %dma_start3A_20 = tpu.memref_slice %arg2[%add3A_11] : memref<16384xi32, #tpu.memory_space<hbm>> -> memref<512xi32, #tpu.memory_space<hbm>>
    tpu.enqueue_dma source(%dma_start3A_20 : memref<512xi32, #tpu.memory_space<hbm>>) target(%dma_start3A_19 : memref<512xi32, #tpu.memory_space<vmem>>) target_semaphore(%dma_start3A_17 : memref<!tpu.dma_semaphore, #tpu.memory_space<semaphore_mem>>)
    %dma_wait3A = arith.constant 0 : i32
    %dma_wait3A_21 = arith.constant 0 : i32
    %dma_wait3A_22 = tpu.memref_slice %arg5[%dma_wait3A_21] : memref<1024xi32, #tpu.memory_space<vmem>> -> memref<512xi32, #tpu.memory_space<vmem>>
    %dma_wait3A_23 = tpu.memref_slice %arg2[%add3A_1] : memref<16384xi32, #tpu.memory_space<hbm>> -> memref<512xi32, #tpu.memory_space<hbm>>
    %dma_wait3A_24 = tpu.memref_slice %arg8[%dma_wait3A] : memref<2x!tpu.dma_semaphore, #tpu.memory_space<semaphore_mem>> -> memref<1x!tpu.dma_semaphore, #tpu.memory_space<semaphore_mem>>
    %dma_wait3A_25 = tpu.memref_squeeze %dma_wait3A_24 : memref<1x!tpu.dma_semaphore, #tpu.memory_space<semaphore_mem>> -> memref<!tpu.dma_semaphore, #tpu.memory_space<semaphore_mem>>
    %dma_wait3A_26 = arith.constant 0 : i32
    %dma_wait3A_27 = tpu.memref_slice %arg5[%dma_wait3A_26] : memref<1024xi32, #tpu.memory_space<vmem>> -> memref<512xi32, #tpu.memory_space<vmem>>
    %dma_wait3A_28 = tpu.memref_slice %arg2[%add3A_1] : memref<16384xi32, #tpu.memory_space<hbm>> -> memref<512xi32, #tpu.memory_space<hbm>>
    tpu.wait_dma2 semaphore(%dma_wait3A_25 : memref<!tpu.dma_semaphore, #tpu.memory_space<semaphore_mem>>) src(%dma_wait3A_28 : memref<512xi32, #tpu.memory_space<hbm>>) dst(%dma_wait3A_27 : memref<512xi32, #tpu.memory_space<vmem>>)
    %dma_start3A_29 = arith.constant 0 : i32
    %dma_start3A_30 = arith.constant 0 : i32
    %dma_start3A_31 = tpu.memref_slice %arg6[%dma_start3A_30] : memref<1024xf32, #tpu.memory_space<vmem>> -> memref<512xf32, #tpu.memory_space<vmem>>
    %dma_start3A_32 = arith.constant 0 : i32
    %dma_start3A_33 = tpu.memref_slice %arg5[%dma_start3A_32] : memref<1024xi32, #tpu.memory_space<vmem>> -> memref<512xi32, #tpu.memory_space<vmem>>
    %dma_start3A_34 = arith.constant 0 : i32
    %dma_start3A_35 = tpu.memref_slice %arg3[%dma_start3A_34] : memref<1000000xf32, #tpu.memory_space<hbm>> -> memref<1000000xf32, #tpu.memory_space<hbm>>
    %dma_start3A_36 = tpu.memref_slice %arg9[%dma_start3A_29] : memref<2x!tpu.dma_semaphore, #tpu.memory_space<semaphore_mem>> -> memref<1x!tpu.dma_semaphore, #tpu.memory_space<semaphore_mem>>
    %dma_start3A_37 = tpu.memref_squeeze %dma_start3A_36 : memref<1x!tpu.dma_semaphore, #tpu.memory_space<semaphore_mem>> -> memref<!tpu.dma_semaphore, #tpu.memory_space<semaphore_mem>>
    tpu.enqueue_indirect_dma source(%dma_start3A_35 : memref<1000000xf32, #tpu.memory_space<hbm>>) target(%dma_start3A_31 : memref<512xf32, #tpu.memory_space<vmem>>) offsets(%dma_start3A_33 : memref<512xi32, #tpu.memory_space<vmem>>) semaphore(%dma_start3A_37 : memref<!tpu.dma_semaphore, #tpu.memory_space<semaphore_mem>>)
    %dma_wait3A_38 = arith.constant 1 : i32
    %dma_wait3A_39 = arith.constant 512 : i32
    %dma_wait3A_40 = tpu.memref_slice %arg5[%dma_wait3A_39] : memref<1024xi32, #tpu.memory_space<vmem>> -> memref<512xi32, #tpu.memory_space<vmem>>
    %dma_wait3A_41 = tpu.memref_slice %arg2[%add3A_11] : memref<16384xi32, #tpu.memory_space<hbm>> -> memref<512xi32, #tpu.memory_space<hbm>>
    %dma_wait3A_42 = tpu.memref_slice %arg8[%dma_wait3A_38] : memref<2x!tpu.dma_semaphore, #tpu.memory_space<semaphore_mem>> -> memref<1x!tpu.dma_semaphore, #tpu.memory_space<semaphore_mem>>
    %dma_wait3A_43 = tpu.memref_squeeze %dma_wait3A_42 : memref<1x!tpu.dma_semaphore, #tpu.memory_space<semaphore_mem>> -> memref<!tpu.dma_semaphore, #tpu.memory_space<semaphore_mem>>
    %dma_wait3A_44 = arith.constant 512 : i32
    %dma_wait3A_45 = tpu.memref_slice %arg5[%dma_wait3A_44] : memref<1024xi32, #tpu.memory_space<vmem>> -> memref<512xi32, #tpu.memory_space<vmem>>
    %dma_wait3A_46 = tpu.memref_slice %arg2[%add3A_11] : memref<16384xi32, #tpu.memory_space<hbm>> -> memref<512xi32, #tpu.memory_space<hbm>>
    tpu.wait_dma2 semaphore(%dma_wait3A_43 : memref<!tpu.dma_semaphore, #tpu.memory_space<semaphore_mem>>) src(%dma_wait3A_46 : memref<512xi32, #tpu.memory_space<hbm>>) dst(%dma_wait3A_45 : memref<512xi32, #tpu.memory_space<vmem>>)
    %dma_start3A_47 = arith.constant 1 : i32
    %dma_start3A_48 = arith.constant 512 : i32
    %dma_start3A_49 = tpu.memref_slice %arg6[%dma_start3A_48] : memref<1024xf32, #tpu.memory_space<vmem>> -> memref<512xf32, #tpu.memory_space<vmem>>
    %dma_start3A_50 = arith.constant 512 : i32
    %dma_start3A_51 = tpu.memref_slice %arg5[%dma_start3A_50] : memref<1024xi32, #tpu.memory_space<vmem>> -> memref<512xi32, #tpu.memory_space<vmem>>
    %dma_start3A_52 = arith.constant 0 : i32
    %dma_start3A_53 = tpu.memref_slice %arg3[%dma_start3A_52] : memref<1000000xf32, #tpu.memory_space<hbm>> -> memref<1000000xf32, #tpu.memory_space<hbm>>
    %dma_start3A_54 = tpu.memref_slice %arg9[%dma_start3A_47] : memref<2x!tpu.dma_semaphore, #tpu.memory_space<semaphore_mem>> -> memref<1x!tpu.dma_semaphore, #tpu.memory_space<semaphore_mem>>
    %dma_start3A_55 = tpu.memref_squeeze %dma_start3A_54 : memref<1x!tpu.dma_semaphore, #tpu.memory_space<semaphore_mem>> -> memref<!tpu.dma_semaphore, #tpu.memory_space<semaphore_mem>>
    tpu.enqueue_indirect_dma source(%dma_start3A_53 : memref<1000000xf32, #tpu.memory_space<hbm>>) target(%dma_start3A_49 : memref<512xf32, #tpu.memory_space<vmem>>) offsets(%dma_start3A_51 : memref<512xi32, #tpu.memory_space<vmem>>) semaphore(%dma_start3A_55 : memref<!tpu.dma_semaphore, #tpu.memory_space<semaphore_mem>>)
    %dma_wait3A_56 = arith.constant 0 : i32
    %dma_wait3A_57 = arith.constant 0 : i32
    %dma_wait3A_58 = tpu.memref_slice %arg6[%dma_wait3A_57] : memref<1024xf32, #tpu.memory_space<vmem>> -> memref<512xf32, #tpu.memory_space<vmem>>
    %dma_wait3A_59 = arith.constant 0 : i32
    %dma_wait3A_60 = tpu.memref_slice %arg5[%dma_wait3A_59] : memref<1024xi32, #tpu.memory_space<vmem>> -> memref<512xi32, #tpu.memory_space<vmem>>
    %dma_wait3A_61 = arith.constant 0 : i32
    %dma_wait3A_62 = tpu.memref_slice %arg3[%dma_wait3A_61] : memref<1000000xf32, #tpu.memory_space<hbm>> -> memref<1000000xf32, #tpu.memory_space<hbm>>
    %dma_wait3A_63 = tpu.memref_slice %arg9[%dma_wait3A_56] : memref<2x!tpu.dma_semaphore, #tpu.memory_space<semaphore_mem>> -> memref<1x!tpu.dma_semaphore, #tpu.memory_space<semaphore_mem>>
    %dma_wait3A_64 = tpu.memref_squeeze %dma_wait3A_63 : memref<1x!tpu.dma_semaphore, #tpu.memory_space<semaphore_mem>> -> memref<!tpu.dma_semaphore, #tpu.memory_space<semaphore_mem>>
    tpu.wait_indirect_dma semaphore(%dma_wait3A_64 : memref<!tpu.dma_semaphore, #tpu.memory_space<semaphore_mem>>) src(%dma_wait3A_62 : memref<1000000xf32, #tpu.memory_space<hbm>>) dst(%dma_wait3A_58 : memref<512xf32, #tpu.memory_space<vmem>>)
    %get3A = arith.constant 0 : index
    %get3A_65 = tpu.vector_load %arg6[%get3A] {strides = array<i32>} : memref<1024xf32, #tpu.memory_space<vmem>>, vector<16xf32>,
    %get3A_66 = vector.shape_cast %get3A_65 : vector<16xf32> to vector<16xf32>
    %get3A_67 = arith.constant 16 : index
    %get3A_68 = tpu.vector_load %arg6[%get3A_67] {strides = array<i32>} : memref<1024xf32, #tpu.memory_space<vmem>>, vector<16xf32>,
    %get3A_69 = vector.shape_cast %get3A_68 : vector<16xf32> to vector<16xf32>
    %get3A_70 = arith.constant 32 : index
    %get3A_71 = tpu.vector_load %arg6[%get3A_70] {strides = array<i32>} : memref<1024xf32, #tpu.memory_space<vmem>>, vector<16xf32>,
    %get3A_72 = vector.shape_cast %get3A_71 : vector<16xf32> to vector<16xf32>
    %get3A_73 = arith.constant 48 : index
    %get3A_74 = tpu.vector_load %arg6[%get3A_73] {strides = array<i32>} : memref<1024xf32, #tpu.memory_space<vmem>>, vector<16xf32>,
    %get3A_75 = vector.shape_cast %get3A_74 : vector<16xf32> to vector<16xf32>
    %get3A_76 = arith.constant 64 : index
    %get3A_77 = tpu.vector_load %arg6[%get3A_76] {strides = array<i32>} : memref<1024xf32, #tpu.memory_space<vmem>>, vector<16xf32>,
    %get3A_78 = vector.shape_cast %get3A_77 : vector<16xf32> to vector<16xf32>
    %get3A_79 = arith.constant 80 : index
    %get3A_80 = tpu.vector_load %arg6[%get3A_79] {strides = array<i32>} : memref<1024xf32, #tpu.memory_space<vmem>>, vector<16xf32>,
    %get3A_81 = vector.shape_cast %get3A_80 : vector<16xf32> to vector<16xf32>
    %get3A_82 = arith.constant 96 : index
    %get3A_83 = tpu.vector_load %arg6[%get3A_82] {strides = array<i32>} : memref<1024xf32, #tpu.memory_space<vmem>>, vector<16xf32>,
    %get3A_84 = vector.shape_cast %get3A_83 : vector<16xf32> to vector<16xf32>
    %get3A_85 = arith.constant 112 : index
    %get3A_86 = tpu.vector_load %arg6[%get3A_85] {strides = array<i32>} : memref<1024xf32, #tpu.memory_space<vmem>>, vector<16xf32>,
    %get3A_87 = vector.shape_cast %get3A_86 : vector<16xf32> to vector<16xf32>
    %get3A_88 = arith.constant 128 : index
    %get3A_89 = tpu.vector_load %arg6[%get3A_88] {strides = array<i32>} : memref<1024xf32, #tpu.memory_space<vmem>>, vector<16xf32>,
    %get3A_90 = vector.shape_cast %get3A_89 : vector<16xf32> to vector<16xf32>
    %get3A_91 = arith.constant 144 : index
    %get3A_92 = tpu.vector_load %arg6[%get3A_91] {strides = array<i32>} : memref<1024xf32, #tpu.memory_space<vmem>>, vector<16xf32>,
    %get3A_93 = vector.shape_cast %get3A_92 : vector<16xf32> to vector<16xf32>
    %get3A_94 = arith.constant 160 : index
    %get3A_95 = tpu.vector_load %arg6[%get3A_94] {strides = array<i32>} : memref<1024xf32, #tpu.memory_space<vmem>>, vector<16xf32>,
    %get3A_96 = vector.shape_cast %get3A_95 : vector<16xf32> to vector<16xf32>
    %get3A_97 = arith.constant 176 : index
    %get3A_98 = tpu.vector_load %arg6[%get3A_97] {strides = array<i32>} : memref<1024xf32, #tpu.memory_space<vmem>>, vector<16xf32>,
    %get3A_99 = vector.shape_cast %get3A_98 : vector<16xf32> to vector<16xf32>
    %get3A_100 = arith.constant 192 : index
    %get3A_101 = tpu.vector_load %arg6[%get3A_100] {strides = array<i32>} : memref<1024xf32, #tpu.memory_space<vmem>>, vector<16xf32>,
    %get3A_102 = vector.shape_cast %get3A_101 : vector<16xf32> to vector<16xf32>
    %get3A_103 = arith.constant 208 : index
    %get3A_104 = tpu.vector_load %arg6[%get3A_103] {strides = array<i32>} : memref<1024xf32, #tpu.memory_space<vmem>>, vector<16xf32>,
    %get3A_105 = vector.shape_cast %get3A_104 : vector<16xf32> to vector<16xf32>
    %get3A_106 = arith.constant 224 : index
    %get3A_107 = tpu.vector_load %arg6[%get3A_106] {strides = array<i32>} : memref<1024xf32, #tpu.memory_space<vmem>>, vector<16xf32>,
    %get3A_108 = vector.shape_cast %get3A_107 : vector<16xf32> to vector<16xf32>
    %get3A_109 = arith.constant 240 : index
    %get3A_110 = tpu.vector_load %arg6[%get3A_109] {strides = array<i32>} : memref<1024xf32, #tpu.memory_space<vmem>>, vector<16xf32>,
    %get3A_111 = vector.shape_cast %get3A_110 : vector<16xf32> to vector<16xf32>
    %get3A_112 = arith.constant 256 : index
    %get3A_113 = tpu.vector_load %arg6[%get3A_112] {strides = array<i32>} : memref<1024xf32, #tpu.memory_space<vmem>>, vector<16xf32>,
    %get3A_114 = vector.shape_cast %get3A_113 : vector<16xf32> to vector<16xf32>
    %get3A_115 = arith.constant 272 : index
    %get3A_116 = tpu.vector_load %arg6[%get3A_115] {strides = array<i32>} : memref<1024xf32, #tpu.memory_space<vmem>>, vector<16xf32>,
    %get3A_117 = vector.shape_cast %get3A_116 : vector<16xf32> to vector<16xf32>
    %get3A_118 = arith.constant 288 : index
    %get3A_119 = tpu.vector_load %arg6[%get3A_118] {strides = array<i32>} : memref<1024xf32, #tpu.memory_space<vmem>>, vector<16xf32>,
    %get3A_120 = vector.shape_cast %get3A_119 : vector<16xf32> to vector<16xf32>
    %get3A_121 = arith.constant 304 : index
    %get3A_122 = tpu.vector_load %arg6[%get3A_121] {strides = array<i32>} : memref<1024xf32, #tpu.memory_space<vmem>>, vector<16xf32>,
    %get3A_123 = vector.shape_cast %get3A_122 : vector<16xf32> to vector<16xf32>
    %get3A_124 = arith.constant 320 : index
    %get3A_125 = tpu.vector_load %arg6[%get3A_124] {strides = array<i32>} : memref<1024xf32, #tpu.memory_space<vmem>>, vector<16xf32>,
    %get3A_126 = vector.shape_cast %get3A_125 : vector<16xf32> to vector<16xf32>
    %get3A_127 = arith.constant 336 : index
    %get3A_128 = tpu.vector_load %arg6[%get3A_127] {strides = array<i32>} : memref<1024xf32, #tpu.memory_space<vmem>>, vector<16xf32>,
    %get3A_129 = vector.shape_cast %get3A_128 : vector<16xf32> to vector<16xf32>
    %get3A_130 = arith.constant 352 : index
    %get3A_131 = tpu.vector_load %arg6[%get3A_130] {strides = array<i32>} : memref<1024xf32, #tpu.memory_space<vmem>>, vector<16xf32>,
    %get3A_132 = vector.shape_cast %get3A_131 : vector<16xf32> to vector<16xf32>
    %get3A_133 = arith.constant 368 : index
    %get3A_134 = tpu.vector_load %arg6[%get3A_133] {strides = array<i32>} : memref<1024xf32, #tpu.memory_space<vmem>>, vector<16xf32>,
    %get3A_135 = vector.shape_cast %get3A_134 : vector<16xf32> to vector<16xf32>
    %get3A_136 = arith.constant 384 : index
    %get3A_137 = tpu.vector_load %arg6[%get3A_136] {strides = array<i32>} : memref<1024xf32, #tpu.memory_space<vmem>>, vector<16xf32>,
    %get3A_138 = vector.shape_cast %get3A_137 : vector<16xf32> to vector<16xf32>
    %get3A_139 = arith.constant 400 : index
    %get3A_140 = tpu.vector_load %arg6[%get3A_139] {strides = array<i32>} : memref<1024xf32, #tpu.memory_space<vmem>>, vector<16xf32>,
    %get3A_141 = vector.shape_cast %get3A_140 : vector<16xf32> to vector<16xf32>
    %get3A_142 = arith.constant 416 : index
    %get3A_143 = tpu.vector_load %arg6[%get3A_142] {strides = array<i32>} : memref<1024xf32, #tpu.memory_space<vmem>>, vector<16xf32>,
    %get3A_144 = vector.shape_cast %get3A_143 : vector<16xf32> to vector<16xf32>
    %get3A_145 = arith.constant 432 : index
    %get3A_146 = tpu.vector_load %arg6[%get3A_145] {strides = array<i32>} : memref<1024xf32, #tpu.memory_space<vmem>>, vector<16xf32>,
    %get3A_147 = vector.shape_cast %get3A_146 : vector<16xf32> to vector<16xf32>
    %get3A_148 = arith.constant 448 : index
    %get3A_149 = tpu.vector_load %arg6[%get3A_148] {strides = array<i32>} : memref<1024xf32, #tpu.memory_space<vmem>>, vector<16xf32>,
    %get3A_150 = vector.shape_cast %get3A_149 : vector<16xf32> to vector<16xf32>
    %get3A_151 = arith.constant 464 : index
    %get3A_152 = tpu.vector_load %arg6[%get3A_151] {strides = array<i32>} : memref<1024xf32, #tpu.memory_space<vmem>>, vector<16xf32>,
    %get3A_153 = vector.shape_cast %get3A_152 : vector<16xf32> to vector<16xf32>
    %get3A_154 = arith.constant 480 : index
    %get3A_155 = tpu.vector_load %arg6[%get3A_154] {strides = array<i32>} : memref<1024xf32, #tpu.memory_space<vmem>>, vector<16xf32>,
    %get3A_156 = vector.shape_cast %get3A_155 : vector<16xf32> to vector<16xf32>
    %get3A_157 = arith.constant 496 : index
    %get3A_158 = tpu.vector_load %arg6[%get3A_157] {strides = array<i32>} : memref<1024xf32, #tpu.memory_space<vmem>>, vector<16xf32>,
    %get3A_159 = vector.shape_cast %get3A_158 : vector<16xf32> to vector<16xf32>
    %neg3A = arith.constant 0.000000e+00 : f32
    %neg3A_160 = vector.broadcast %neg3A : f32 to vector<16xf32>
    %neg3A_161 = arith.subf %neg3A_160, %get3A_66 : vector<16xf32>
    %exp3A = math.exp %neg3A_161 : vector<16xf32>
    %neg3A_162 = arith.constant 0.000000e+00 : f32
    %neg3A_163 = vector.broadcast %neg3A_162 : f32 to vector<16xf32>
    %neg3A_164 = arith.subf %neg3A_163, %get3A_69 : vector<16xf32>
    %exp3A_165 = math.exp %neg3A_164 : vector<16xf32>
    %neg3A_166 = arith.constant 0.000000e+00 : f32
    %neg3A_167 = vector.broadcast %neg3A_166 : f32 to vector<16xf32>
    %neg3A_168 = arith.subf %neg3A_167, %get3A_72 : vector<16xf32>
    %exp3A_169 = math.exp %neg3A_168 : vector<16xf32>
    %neg3A_170 = arith.constant 0.000000e+00 : f32
    %neg3A_171 = vector.broadcast %neg3A_170 : f32 to vector<16xf32>
    %neg3A_172 = arith.subf %neg3A_171, %get3A_75 : vector<16xf32>
    %exp3A_173 = math.exp %neg3A_172 : vector<16xf32>
    %neg3A_174 = arith.constant 0.000000e+00 : f32
    %neg3A_175 = vector.broadcast %neg3A_174 : f32 to vector<16xf32>
    %neg3A_176 = arith.subf %neg3A_175, %get3A_78 : vector<16xf32>
    %exp3A_177 = math.exp %neg3A_176 : vector<16xf32>
    %neg3A_178 = arith.constant 0.000000e+00 : f32
    %neg3A_179 = vector.broadcast %neg3A_178 : f32 to vector<16xf32>
    %neg3A_180 = arith.subf %neg3A_179, %get3A_81 : vector<16xf32>
    %exp3A_181 = math.exp %neg3A_180 : vector<16xf32>
    %neg3A_182 = arith.constant 0.000000e+00 : f32
    %neg3A_183 = vector.broadcast %neg3A_182 : f32 to vector<16xf32>
    %neg3A_184 = arith.subf %neg3A_183, %get3A_84 : vector<16xf32>
    %exp3A_185 = math.exp %neg3A_184 : vector<16xf32>
    %neg3A_186 = arith.constant 0.000000e+00 : f32
    %neg3A_187 = vector.broadcast %neg3A_186 : f32 to vector<16xf32>
    %neg3A_188 = arith.subf %neg3A_187, %get3A_87 : vector<16xf32>
    %exp3A_189 = math.exp %neg3A_188 : vector<16xf32>
    %neg3A_190 = arith.constant 0.000000e+00 : f32
    %neg3A_191 = vector.broadcast %neg3A_190 : f32 to vector<16xf32>
    %neg3A_192 = arith.subf %neg3A_191, %get3A_90 : vector<16xf32>
    %exp3A_193 = math.exp %neg3A_192 : vector<16xf32>
    %neg3A_194 = arith.constant 0.000000e+00 : f32
    %neg3A_195 = vector.broadcast %neg3A_194 : f32 to vector<16xf32>
    %neg3A_196 = arith.subf %neg3A_195, %get3A_93 : vector<16xf32>
    %exp3A_197 = math.exp %neg3A_196 : vector<16xf32>
    %neg3A_198 = arith.constant 0.000000e+00 : f32
    %neg3A_199 = vector.broadcast %neg3A_198 : f32 to vector<16xf32>
    %neg3A_200 = arith.subf %neg3A_199, %get3A_96 : vector<16xf32>
    %exp3A_201 = math.exp %neg3A_200 : vector<16xf32>
    %neg3A_202 = arith.constant 0.000000e+00 : f32
    %neg3A_203 = vector.broadcast %neg3A_202 : f32 to vector<16xf32>
    %neg3A_204 = arith.subf %neg3A_203, %get3A_99 : vector<16xf32>
    %exp3A_205 = math.exp %neg3A_204 : vector<16xf32>
    %neg3A_206 = arith.constant 0.000000e+00 : f32
    %neg3A_207 = vector.broadcast %neg3A_206 : f32 to vector<16xf32>
    %neg3A_208 = arith.subf %neg3A_207, %get3A_102 : vector<16xf32>
    %exp3A_209 = math.exp %neg3A_208 : vector<16xf32>
    %neg3A_210 = arith.constant 0.000000e+00 : f32
    %neg3A_211 = vector.broadcast %neg3A_210 : f32 to vector<16xf32>
    %neg3A_212 = arith.subf %neg3A_211, %get3A_105 : vector<16xf32>
    %exp3A_213 = math.exp %neg3A_212 : vector<16xf32>
    %neg3A_214 = arith.constant 0.000000e+00 : f32
    %neg3A_215 = vector.broadcast %neg3A_214 : f32 to vector<16xf32>
    %neg3A_216 = arith.subf %neg3A_215, %get3A_108 : vector<16xf32>
    %exp3A_217 = math.exp %neg3A_216 : vector<16xf32>
    %neg3A_218 = arith.constant 0.000000e+00 : f32
    %neg3A_219 = vector.broadcast %neg3A_218 : f32 to vector<16xf32>
    %neg3A_220 = arith.subf %neg3A_219, %get3A_111 : vector<16xf32>
    %exp3A_221 = math.exp %neg3A_220 : vector<16xf32>
    %neg3A_222 = arith.constant 0.000000e+00 : f32
    %neg3A_223 = vector.broadcast %neg3A_222 : f32 to vector<16xf32>
    %neg3A_224 = arith.subf %neg3A_223, %get3A_114 : vector<16xf32>
    %exp3A_225 = math.exp %neg3A_224 : vector<16xf32>
    %neg3A_226 = arith.constant 0.000000e+00 : f32
    %neg3A_227 = vector.broadcast %neg3A_226 : f32 to vector<16xf32>
    %neg3A_228 = arith.subf %neg3A_227, %get3A_117 : vector<16xf32>
    %exp3A_229 = math.exp %neg3A_228 : vector<16xf32>
    %neg3A_230 = arith.constant 0.000000e+00 : f32
    %neg3A_231 = vector.broadcast %neg3A_230 : f32 to vector<16xf32>
    %neg3A_232 = arith.subf %neg3A_231, %get3A_120 : vector<16xf32>
    %exp3A_233 = math.exp %neg3A_232 : vector<16xf32>
    %neg3A_234 = arith.constant 0.000000e+00 : f32
    %neg3A_235 = vector.broadcast %neg3A_234 : f32 to vector<16xf32>
    %neg3A_236 = arith.subf %neg3A_235, %get3A_123 : vector<16xf32>
    %exp3A_237 = math.exp %neg3A_236 : vector<16xf32>
    %neg3A_238 = arith.constant 0.000000e+00 : f32
    %neg3A_239 = vector.broadcast %neg3A_238 : f32 to vector<16xf32>
    %neg3A_240 = arith.subf %neg3A_239, %get3A_126 : vector<16xf32>
    %exp3A_241 = math.exp %neg3A_240 : vector<16xf32>
    %neg3A_242 = arith.constant 0.000000e+00 : f32
    %neg3A_243 = vector.broadcast %neg3A_242 : f32 to vector<16xf32>
    %neg3A_244 = arith.subf %neg3A_243, %get3A_129 : vector<16xf32>
    %exp3A_245 = math.exp %neg3A_244 : vector<16xf32>
    %neg3A_246 = arith.constant 0.000000e+00 : f32
    %neg3A_247 = vector.broadcast %neg3A_246 : f32 to vector<16xf32>
    %neg3A_248 = arith.subf %neg3A_247, %get3A_132 : vector<16xf32>
    %exp3A_249 = math.exp %neg3A_248 : vector<16xf32>
    %neg3A_250 = arith.constant 0.000000e+00 : f32
    %neg3A_251 = vector.broadcast %neg3A_250 : f32 to vector<16xf32>
    %neg3A_252 = arith.subf %neg3A_251, %get3A_135 : vector<16xf32>
    %exp3A_253 = math.exp %neg3A_252 : vector<16xf32>
    %neg3A_254 = arith.constant 0.000000e+00 : f32
    %neg3A_255 = vector.broadcast %neg3A_254 : f32 to vector<16xf32>
    %neg3A_256 = arith.subf %neg3A_255, %get3A_138 : vector<16xf32>
    %exp3A_257 = math.exp %neg3A_256 : vector<16xf32>
    %neg3A_258 = arith.constant 0.000000e+00 : f32
    %neg3A_259 = vector.broadcast %neg3A_258 : f32 to vector<16xf32>
    %neg3A_260 = arith.subf %neg3A_259, %get3A_141 : vector<16xf32>
    %exp3A_261 = math.exp %neg3A_260 : vector<16xf32>
    %neg3A_262 = arith.constant 0.000000e+00 : f32
    %neg3A_263 = vector.broadcast %neg3A_262 : f32 to vector<16xf32>
    %neg3A_264 = arith.subf %neg3A_263, %get3A_144 : vector<16xf32>
    %exp3A_265 = math.exp %neg3A_264 : vector<16xf32>
    %neg3A_266 = arith.constant 0.000000e+00 : f32
    %neg3A_267 = vector.broadcast %neg3A_266 : f32 to vector<16xf32>
    %neg3A_268 = arith.subf %neg3A_267, %get3A_147 : vector<16xf32>
    %exp3A_269 = math.exp %neg3A_268 : vector<16xf32>
    %neg3A_270 = arith.constant 0.000000e+00 : f32
    %neg3A_271 = vector.broadcast %neg3A_270 : f32 to vector<16xf32>
    %neg3A_272 = arith.subf %neg3A_271, %get3A_150 : vector<16xf32>
    %exp3A_273 = math.exp %neg3A_272 : vector<16xf32>
    %neg3A_274 = arith.constant 0.000000e+00 : f32
    %neg3A_275 = vector.broadcast %neg3A_274 : f32 to vector<16xf32>
    %neg3A_276 = arith.subf %neg3A_275, %get3A_153 : vector<16xf32>
    %exp3A_277 = math.exp %neg3A_276 : vector<16xf32>
    %neg3A_278 = arith.constant 0.000000e+00 : f32
    %neg3A_279 = vector.broadcast %neg3A_278 : f32 to vector<16xf32>
    %neg3A_280 = arith.subf %neg3A_279, %get3A_156 : vector<16xf32>
    %exp3A_281 = math.exp %neg3A_280 : vector<16xf32>
    %neg3A_282 = arith.constant 0.000000e+00 : f32
    %neg3A_283 = vector.broadcast %neg3A_282 : f32 to vector<16xf32>
    %neg3A_284 = arith.subf %neg3A_283, %get3A_159 : vector<16xf32>
    %exp3A_285 = math.exp %neg3A_284 : vector<16xf32>
    %add3A_286 = arith.constant 1.000000e+00 : f32
    %add3A_287 = vector.broadcast %add3A_286 : f32 to vector<16xf32>
    %add3A_288 = arith.addf %add3A_287, %exp3A : vector<16xf32>
    %div3A = arith.constant 1.000000e+00 : f32
    %div3A_289 = vector.broadcast %div3A : f32 to vector<16xf32>
    %div3A_290 = arith.divf %div3A_289, %add3A_288 : vector<16xf32>
    %add3A_291 = arith.constant 1.000000e+00 : f32
    %add3A_292 = vector.broadcast %add3A_291 : f32 to vector<16xf32>
    %add3A_293 = arith.addf %add3A_292, %exp3A_165 : vector<16xf32>
    %div3A_294 = arith.constant 1.000000e+00 : f32
    %div3A_295 = vector.broadcast %div3A_294 : f32 to vector<16xf32>
    %div3A_296 = arith.divf %div3A_295, %add3A_293 : vector<16xf32>
    %add3A_297 = arith.constant 1.000000e+00 : f32
    %add3A_298 = vector.broadcast %add3A_297 : f32 to vector<16xf32>
    %add3A_299 = arith.addf %add3A_298, %exp3A_169 : vector<16xf32>
    %div3A_300 = arith.constant 1.000000e+00 : f32
    %div3A_301 = vector.broadcast %div3A_300 : f32 to vector<16xf32>
    %div3A_302 = arith.divf %div3A_301, %add3A_299 : vector<16xf32>
    %add3A_303 = arith.constant 1.000000e+00 : f32
    %add3A_304 = vector.broadcast %add3A_303 : f32 to vector<16xf32>
    %add3A_305 = arith.addf %add3A_304, %exp3A_173 : vector<16xf32>
    %div3A_306 = arith.constant 1.000000e+00 : f32
    %div3A_307 = vector.broadcast %div3A_306 : f32 to vector<16xf32>
    %div3A_308 = arith.divf %div3A_307, %add3A_305 : vector<16xf32>
    %add3A_309 = arith.constant 1.000000e+00 : f32
    %add3A_310 = vector.broadcast %add3A_309 : f32 to vector<16xf32>
    %add3A_311 = arith.addf %add3A_310, %exp3A_177 : vector<16xf32>
    %div3A_312 = arith.constant 1.000000e+00 : f32
    %div3A_313 = vector.broadcast %div3A_312 : f32 to vector<16xf32>
    %div3A_314 = arith.divf %div3A_313, %add3A_311 : vector<16xf32>
    %add3A_315 = arith.constant 1.000000e+00 : f32
    %add3A_316 = vector.broadcast %add3A_315 : f32 to vector<16xf32>
    %add3A_317 = arith.addf %add3A_316, %exp3A_181 : vector<16xf32>
    %div3A_318 = arith.constant 1.000000e+00 : f32
    %div3A_319 = vector.broadcast %div3A_318 : f32 to vector<16xf32>
    %div3A_320 = arith.divf %div3A_319, %add3A_317 : vector<16xf32>
    %add3A_321 = arith.constant 1.000000e+00 : f32
    %add3A_322 = vector.broadcast %add3A_321 : f32 to vector<16xf32>
    %add3A_323 = arith.addf %add3A_322, %exp3A_185 : vector<16xf32>
    %div3A_324 = arith.constant 1.000000e+00 : f32
    %div3A_325 = vector.broadcast %div3A_324 : f32 to vector<16xf32>
    %div3A_326 = arith.divf %div3A_325, %add3A_323 : vector<16xf32>
    %add3A_327 = arith.constant 1.000000e+00 : f32
    %add3A_328 = vector.broadcast %add3A_327 : f32 to vector<16xf32>
    %add3A_329 = arith.addf %add3A_328, %exp3A_189 : vector<16xf32>
    %div3A_330 = arith.constant 1.000000e+00 : f32
    %div3A_331 = vector.broadcast %div3A_330 : f32 to vector<16xf32>
    %div3A_332 = arith.divf %div3A_331, %add3A_329 : vector<16xf32>
    %add3A_333 = arith.constant 1.000000e+00 : f32
    %add3A_334 = vector.broadcast %add3A_333 : f32 to vector<16xf32>
    %add3A_335 = arith.addf %add3A_334, %exp3A_193 : vector<16xf32>
    %div3A_336 = arith.constant 1.000000e+00 : f32
    %div3A_337 = vector.broadcast %div3A_336 : f32 to vector<16xf32>
    %div3A_338 = arith.divf %div3A_337, %add3A_335 : vector<16xf32>
    %add3A_339 = arith.constant 1.000000e+00 : f32
    %add3A_340 = vector.broadcast %add3A_339 : f32 to vector<16xf32>
    %add3A_341 = arith.addf %add3A_340, %exp3A_197 : vector<16xf32>
    %div3A_342 = arith.constant 1.000000e+00 : f32
    %div3A_343 = vector.broadcast %div3A_342 : f32 to vector<16xf32>
    %div3A_344 = arith.divf %div3A_343, %add3A_341 : vector<16xf32>
    %add3A_345 = arith.constant 1.000000e+00 : f32
    %add3A_346 = vector.broadcast %add3A_345 : f32 to vector<16xf32>
    %add3A_347 = arith.addf %add3A_346, %exp3A_201 : vector<16xf32>
    %div3A_348 = arith.constant 1.000000e+00 : f32
    %div3A_349 = vector.broadcast %div3A_348 : f32 to vector<16xf32>
    %div3A_350 = arith.divf %div3A_349, %add3A_347 : vector<16xf32>
    %add3A_351 = arith.constant 1.000000e+00 : f32
    %add3A_352 = vector.broadcast %add3A_351 : f32 to vector<16xf32>
    %add3A_353 = arith.addf %add3A_352, %exp3A_205 : vector<16xf32>
    %div3A_354 = arith.constant 1.000000e+00 : f32
    %div3A_355 = vector.broadcast %div3A_354 : f32 to vector<16xf32>
    %div3A_356 = arith.divf %div3A_355, %add3A_353 : vector<16xf32>
    %add3A_357 = arith.constant 1.000000e+00 : f32
    %add3A_358 = vector.broadcast %add3A_357 : f32 to vector<16xf32>
    %add3A_359 = arith.addf %add3A_358, %exp3A_209 : vector<16xf32>
    %div3A_360 = arith.constant 1.000000e+00 : f32
    %div3A_361 = vector.broadcast %div3A_360 : f32 to vector<16xf32>
    %div3A_362 = arith.divf %div3A_361, %add3A_359 : vector<16xf32>
    %add3A_363 = arith.constant 1.000000e+00 : f32
    %add3A_364 = vector.broadcast %add3A_363 : f32 to vector<16xf32>
    %add3A_365 = arith.addf %add3A_364, %exp3A_213 : vector<16xf32>
    %div3A_366 = arith.constant 1.000000e+00 : f32
    %div3A_367 = vector.broadcast %div3A_366 : f32 to vector<16xf32>
    %div3A_368 = arith.divf %div3A_367, %add3A_365 : vector<16xf32>
    %add3A_369 = arith.constant 1.000000e+00 : f32
    %add3A_370 = vector.broadcast %add3A_369 : f32 to vector<16xf32>
    %add3A_371 = arith.addf %add3A_370, %exp3A_217 : vector<16xf32>
    %div3A_372 = arith.constant 1.000000e+00 : f32
    %div3A_373 = vector.broadcast %div3A_372 : f32 to vector<16xf32>
    %div3A_374 = arith.divf %div3A_373, %add3A_371 : vector<16xf32>
    %add3A_375 = arith.constant 1.000000e+00 : f32
    %add3A_376 = vector.broadcast %add3A_375 : f32 to vector<16xf32>
    %add3A_377 = arith.addf %add3A_376, %exp3A_221 : vector<16xf32>
    %div3A_378 = arith.constant 1.000000e+00 : f32
    %div3A_379 = vector.broadcast %div3A_378 : f32 to vector<16xf32>
    %div3A_380 = arith.divf %div3A_379, %add3A_377 : vector<16xf32>
    %add3A_381 = arith.constant 1.000000e+00 : f32
    %add3A_382 = vector.broadcast %add3A_381 : f32 to vector<16xf32>
    %add3A_383 = arith.addf %add3A_382, %exp3A_225 : vector<16xf32>
    %div3A_384 = arith.constant 1.000000e+00 : f32
    %div3A_385 = vector.broadcast %div3A_384 : f32 to vector<16xf32>
    %div3A_386 = arith.divf %div3A_385, %add3A_383 : vector<16xf32>
    %add3A_387 = arith.constant 1.000000e+00 : f32
    %add3A_388 = vector.broadcast %add3A_387 : f32 to vector<16xf32>
    %add3A_389 = arith.addf %add3A_388, %exp3A_229 : vector<16xf32>
    %div3A_390 = arith.constant 1.000000e+00 : f32
    %div3A_391 = vector.broadcast %div3A_390 : f32 to vector<16xf32>
    %div3A_392 = arith.divf %div3A_391, %add3A_389 : vector<16xf32>
    %add3A_393 = arith.constant 1.000000e+00 : f32
    %add3A_394 = vector.broadcast %add3A_393 : f32 to vector<16xf32>
    %add3A_395 = arith.addf %add3A_394, %exp3A_233 : vector<16xf32>
    %div3A_396 = arith.constant 1.000000e+00 : f32
    %div3A_397 = vector.broadcast %div3A_396 : f32 to vector<16xf32>
    %div3A_398 = arith.divf %div3A_397, %add3A_395 : vector<16xf32>
    %add3A_399 = arith.constant 1.000000e+00 : f32
    %add3A_400 = vector.broadcast %add3A_399 : f32 to vector<16xf32>
    %add3A_401 = arith.addf %add3A_400, %exp3A_237 : vector<16xf32>
    %div3A_402 = arith.constant 1.000000e+00 : f32
    %div3A_403 = vector.broadcast %div3A_402 : f32 to vector<16xf32>
    %div3A_404 = arith.divf %div3A_403, %add3A_401 : vector<16xf32>
    %add3A_405 = arith.constant 1.000000e+00 : f32
    %add3A_406 = vector.broadcast %add3A_405 : f32 to vector<16xf32>
    %add3A_407 = arith.addf %add3A_406, %exp3A_241 : vector<16xf32>
    %div3A_408 = arith.constant 1.000000e+00 : f32
    %div3A_409 = vector.broadcast %div3A_408 : f32 to vector<16xf32>
    %div3A_410 = arith.divf %div3A_409, %add3A_407 : vector<16xf32>
    %add3A_411 = arith.constant 1.000000e+00 : f32
    %add3A_412 = vector.broadcast %add3A_411 : f32 to vector<16xf32>
    %add3A_413 = arith.addf %add3A_412, %exp3A_245 : vector<16xf32>
    %div3A_414 = arith.constant 1.000000e+00 : f32
    %div3A_415 = vector.broadcast %div3A_414 : f32 to vector<16xf32>
    %div3A_416 = arith.divf %div3A_415, %add3A_413 : vector<16xf32>
    %add3A_417 = arith.constant 1.000000e+00 : f32
    %add3A_418 = vector.broadcast %add3A_417 : f32 to vector<16xf32>
    %add3A_419 = arith.addf %add3A_418, %exp3A_249 : vector<16xf32>
    %div3A_420 = arith.constant 1.000000e+00 : f32
    %div3A_421 = vector.broadcast %div3A_420 : f32 to vector<16xf32>
    %div3A_422 = arith.divf %div3A_421, %add3A_419 : vector<16xf32>
    %add3A_423 = arith.constant 1.000000e+00 : f32
    %add3A_424 = vector.broadcast %add3A_423 : f32 to vector<16xf32>
    %add3A_425 = arith.addf %add3A_424, %exp3A_253 : vector<16xf32>
    %div3A_426 = arith.constant 1.000000e+00 : f32
    %div3A_427 = vector.broadcast %div3A_426 : f32 to vector<16xf32>
    %div3A_428 = arith.divf %div3A_427, %add3A_425 : vector<16xf32>
    %add3A_429 = arith.constant 1.000000e+00 : f32
    %add3A_430 = vector.broadcast %add3A_429 : f32 to vector<16xf32>
    %add3A_431 = arith.addf %add3A_430, %exp3A_257 : vector<16xf32>
    %div3A_432 = arith.constant 1.000000e+00 : f32
    %div3A_433 = vector.broadcast %div3A_432 : f32 to vector<16xf32>
    %div3A_434 = arith.divf %div3A_433, %add3A_431 : vector<16xf32>
    %add3A_435 = arith.constant 1.000000e+00 : f32
    %add3A_436 = vector.broadcast %add3A_435 : f32 to vector<16xf32>
    %add3A_437 = arith.addf %add3A_436, %exp3A_261 : vector<16xf32>
    %div3A_438 = arith.constant 1.000000e+00 : f32
    %div3A_439 = vector.broadcast %div3A_438 : f32 to vector<16xf32>
    %div3A_440 = arith.divf %div3A_439, %add3A_437 : vector<16xf32>
    %add3A_441 = arith.constant 1.000000e+00 : f32
    %add3A_442 = vector.broadcast %add3A_441 : f32 to vector<16xf32>
    %add3A_443 = arith.addf %add3A_442, %exp3A_265 : vector<16xf32>
    %div3A_444 = arith.constant 1.000000e+00 : f32
    %div3A_445 = vector.broadcast %div3A_444 : f32 to vector<16xf32>
    %div3A_446 = arith.divf %div3A_445, %add3A_443 : vector<16xf32>
    %add3A_447 = arith.constant 1.000000e+00 : f32
    %add3A_448 = vector.broadcast %add3A_447 : f32 to vector<16xf32>
    %add3A_449 = arith.addf %add3A_448, %exp3A_269 : vector<16xf32>
    %div3A_450 = arith.constant 1.000000e+00 : f32
    %div3A_451 = vector.broadcast %div3A_450 : f32 to vector<16xf32>
    %div3A_452 = arith.divf %div3A_451, %add3A_449 : vector<16xf32>
    %add3A_453 = arith.constant 1.000000e+00 : f32
    %add3A_454 = vector.broadcast %add3A_453 : f32 to vector<16xf32>
    %add3A_455 = arith.addf %add3A_454, %exp3A_273 : vector<16xf32>
    %div3A_456 = arith.constant 1.000000e+00 : f32
    %div3A_457 = vector.broadcast %div3A_456 : f32 to vector<16xf32>
    %div3A_458 = arith.divf %div3A_457, %add3A_455 : vector<16xf32>
    %add3A_459 = arith.constant 1.000000e+00 : f32
    %add3A_460 = vector.broadcast %add3A_459 : f32 to vector<16xf32>
    %add3A_461 = arith.addf %add3A_460, %exp3A_277 : vector<16xf32>
    %div3A_462 = arith.constant 1.000000e+00 : f32
    %div3A_463 = vector.broadcast %div3A_462 : f32 to vector<16xf32>
    %div3A_464 = arith.divf %div3A_463, %add3A_461 : vector<16xf32>
    %add3A_465 = arith.constant 1.000000e+00 : f32
    %add3A_466 = vector.broadcast %add3A_465 : f32 to vector<16xf32>
    %add3A_467 = arith.addf %add3A_466, %exp3A_281 : vector<16xf32>
    %div3A_468 = arith.constant 1.000000e+00 : f32
    %div3A_469 = vector.broadcast %div3A_468 : f32 to vector<16xf32>
    %div3A_470 = arith.divf %div3A_469, %add3A_467 : vector<16xf32>
    %add3A_471 = arith.constant 1.000000e+00 : f32
    %add3A_472 = vector.broadcast %add3A_471 : f32 to vector<16xf32>
    %add3A_473 = arith.addf %add3A_472, %exp3A_285 : vector<16xf32>
    %div3A_474 = arith.constant 1.000000e+00 : f32
    %div3A_475 = vector.broadcast %div3A_474 : f32 to vector<16xf32>
    %div3A_476 = arith.divf %div3A_475, %add3A_473 : vector<16xf32>
    %swap3A = arith.constant 0 : index
    %swap3A_477 = tpu.vector_load %arg7[%swap3A] {strides = array<i32>} : memref<1024xf32, #tpu.memory_space<vmem>>, vector<16xf32>,
    %swap3A_478 = vector.shape_cast %swap3A_477 : vector<16xf32> to vector<16xf32>
    %swap3A_479 = vector.shape_cast %div3A_290 : vector<16xf32> to vector<16xf32>
    tpu.vector_store %arg7[%swap3A], %swap3A_479 {strides = array<i32>} : memref<1024xf32, #tpu.memory_space<vmem>>, vector<16xf32>,
    %swap3A_480 = arith.constant 16 : index
    %swap3A_481 = tpu.vector_load %arg7[%swap3A_480] {strides = array<i32>} : memref<1024xf32, #tpu.memory_space<vmem>>, vector<16xf32>,
    %swap3A_482 = vector.shape_cast %swap3A_481 : vector<16xf32> to vector<16xf32>
    %swap3A_483 = vector.shape_cast %div3A_296 : vector<16xf32> to vector<16xf32>
    tpu.vector_store %arg7[%swap3A_480], %swap3A_483 {strides = array<i32>} : memref<1024xf32, #tpu.memory_space<vmem>>, vector<16xf32>,
    %swap3A_484 = arith.constant 32 : index
    %swap3A_485 = tpu.vector_load %arg7[%swap3A_484] {strides = array<i32>} : memref<1024xf32, #tpu.memory_space<vmem>>, vector<16xf32>,
    %swap3A_486 = vector.shape_cast %swap3A_485 : vector<16xf32> to vector<16xf32>
    %swap3A_487 = vector.shape_cast %div3A_302 : vector<16xf32> to vector<16xf32>
    tpu.vector_store %arg7[%swap3A_484], %swap3A_487 {strides = array<i32>} : memref<1024xf32, #tpu.memory_space<vmem>>, vector<16xf32>,
    %swap3A_488 = arith.constant 48 : index
    %swap3A_489 = tpu.vector_load %arg7[%swap3A_488] {strides = array<i32>} : memref<1024xf32, #tpu.memory_space<vmem>>, vector<16xf32>,
    %swap3A_490 = vector.shape_cast %swap3A_489 : vector<16xf32> to vector<16xf32>
    %swap3A_491 = vector.shape_cast %div3A_308 : vector<16xf32> to vector<16xf32>
    tpu.vector_store %arg7[%swap3A_488], %swap3A_491 {strides = array<i32>} : memref<1024xf32, #tpu.memory_space<vmem>>, vector<16xf32>,
    %swap3A_492 = arith.constant 64 : index
    %swap3A_493 = tpu.vector_load %arg7[%swap3A_492] {strides = array<i32>} : memref<1024xf32, #tpu.memory_space<vmem>>, vector<16xf32>,
    %swap3A_494 = vector.shape_cast %swap3A_493 : vector<16xf32> to vector<16xf32>
    %swap3A_495 = vector.shape_cast %div3A_314 : vector<16xf32> to vector<16xf32>
    tpu.vector_store %arg7[%swap3A_492], %swap3A_495 {strides = array<i32>} : memref<1024xf32, #tpu.memory_space<vmem>>, vector<16xf32>,
    %swap3A_496 = arith.constant 80 : index
    %swap3A_497 = tpu.vector_load %arg7[%swap3A_496] {strides = array<i32>} : memref<1024xf32, #tpu.memory_space<vmem>>, vector<16xf32>,
    %swap3A_498 = vector.shape_cast %swap3A_497 : vector<16xf32> to vector<16xf32>
    %swap3A_499 = vector.shape_cast %div3A_320 : vector<16xf32> to vector<16xf32>
    tpu.vector_store %arg7[%swap3A_496], %swap3A_499 {strides = array<i32>} : memref<1024xf32, #tpu.memory_space<vmem>>, vector<16xf32>,
    %swap3A_500 = arith.constant 96 : index
    %swap3A_501 = tpu.vector_load %arg7[%swap3A_500] {strides = array<i32>} : memref<1024xf32, #tpu.memory_space<vmem>>, vector<16xf32>,
    %swap3A_502 = vector.shape_cast %swap3A_501 : vector<16xf32> to vector<16xf32>
    %swap3A_503 = vector.shape_cast %div3A_326 : vector<16xf32> to vector<16xf32>
    tpu.vector_store %arg7[%swap3A_500], %swap3A_503 {strides = array<i32>} : memref<1024xf32, #tpu.memory_space<vmem>>, vector<16xf32>,
    %swap3A_504 = arith.constant 112 : index
    %swap3A_505 = tpu.vector_load %arg7[%swap3A_504] {strides = array<i32>} : memref<1024xf32, #tpu.memory_space<vmem>>, vector<16xf32>,
    %swap3A_506 = vector.shape_cast %swap3A_505 : vector<16xf32> to vector<16xf32>
    %swap3A_507 = vector.shape_cast %div3A_332 : vector<16xf32> to vector<16xf32>
    tpu.vector_store %arg7[%swap3A_504], %swap3A_507 {strides = array<i32>} : memref<1024xf32, #tpu.memory_space<vmem>>, vector<16xf32>,
    %swap3A_508 = arith.constant 128 : index
    %swap3A_509 = tpu.vector_load %arg7[%swap3A_508] {strides = array<i32>} : memref<1024xf32, #tpu.memory_space<vmem>>, vector<16xf32>,
    %swap3A_510 = vector.shape_cast %swap3A_509 : vector<16xf32> to vector<16xf32>
    %swap3A_511 = vector.shape_cast %div3A_338 : vector<16xf32> to vector<16xf32>
    tpu.vector_store %arg7[%swap3A_508], %swap3A_511 {strides = array<i32>} : memref<1024xf32, #tpu.memory_space<vmem>>, vector<16xf32>,
    %swap3A_512 = arith.constant 144 : index
    %swap3A_513 = tpu.vector_load %arg7[%swap3A_512] {strides = array<i32>} : memref<1024xf32, #tpu.memory_space<vmem>>, vector<16xf32>,
    %swap3A_514 = vector.shape_cast %swap3A_513 : vector<16xf32> to vector<16xf32>
    %swap3A_515 = vector.shape_cast %div3A_344 : vector<16xf32> to vector<16xf32>
    tpu.vector_store %arg7[%swap3A_512], %swap3A_515 {strides = array<i32>} : memref<1024xf32, #tpu.memory_space<vmem>>, vector<16xf32>,
    %swap3A_516 = arith.constant 160 : index
    %swap3A_517 = tpu.vector_load %arg7[%swap3A_516] {strides = array<i32>} : memref<1024xf32, #tpu.memory_space<vmem>>, vector<16xf32>,
    %swap3A_518 = vector.shape_cast %swap3A_517 : vector<16xf32> to vector<16xf32>
    %swap3A_519 = vector.shape_cast %div3A_350 : vector<16xf32> to vector<16xf32>
    tpu.vector_store %arg7[%swap3A_516], %swap3A_519 {strides = array<i32>} : memref<1024xf32, #tpu.memory_space<vmem>>, vector<16xf32>,
    %swap3A_520 = arith.constant 176 : index
    %swap3A_521 = tpu.vector_load %arg7[%swap3A_520] {strides = array<i32>} : memref<1024xf32, #tpu.memory_space<vmem>>, vector<16xf32>,
    %swap3A_522 = vector.shape_cast %swap3A_521 : vector<16xf32> to vector<16xf32>
    %swap3A_523 = vector.shape_cast %div3A_356 : vector<16xf32> to vector<16xf32>
    tpu.vector_store %arg7[%swap3A_520], %swap3A_523 {strides = array<i32>} : memref<1024xf32, #tpu.memory_space<vmem>>, vector<16xf32>,
    %swap3A_524 = arith.constant 192 : index
    %swap3A_525 = tpu.vector_load %arg7[%swap3A_524] {strides = array<i32>} : memref<1024xf32, #tpu.memory_space<vmem>>, vector<16xf32>,
    %swap3A_526 = vector.shape_cast %swap3A_525 : vector<16xf32> to vector<16xf32>
    %swap3A_527 = vector.shape_cast %div3A_362 : vector<16xf32> to vector<16xf32>
    tpu.vector_store %arg7[%swap3A_524], %swap3A_527 {strides = array<i32>} : memref<1024xf32, #tpu.memory_space<vmem>>, vector<16xf32>,
    %swap3A_528 = arith.constant 208 : index
    %swap3A_529 = tpu.vector_load %arg7[%swap3A_528] {strides = array<i32>} : memref<1024xf32, #tpu.memory_space<vmem>>, vector<16xf32>,
    %swap3A_530 = vector.shape_cast %swap3A_529 : vector<16xf32> to vector<16xf32>
    %swap3A_531 = vector.shape_cast %div3A_368 : vector<16xf32> to vector<16xf32>
    tpu.vector_store %arg7[%swap3A_528], %swap3A_531 {strides = array<i32>} : memref<1024xf32, #tpu.memory_space<vmem>>, vector<16xf32>,
    %swap3A_532 = arith.constant 224 : index
    %swap3A_533 = tpu.vector_load %arg7[%swap3A_532] {strides = array<i32>} : memref<1024xf32, #tpu.memory_space<vmem>>, vector<16xf32>,
    %swap3A_534 = vector.shape_cast %swap3A_533 : vector<16xf32> to vector<16xf32>
    %swap3A_535 = vector.shape_cast %div3A_374 : vector<16xf32> to vector<16xf32>
    tpu.vector_store %arg7[%swap3A_532], %swap3A_535 {strides = array<i32>} : memref<1024xf32, #tpu.memory_space<vmem>>, vector<16xf32>,
    %swap3A_536 = arith.constant 240 : index
    %swap3A_537 = tpu.vector_load %arg7[%swap3A_536] {strides = array<i32>} : memref<1024xf32, #tpu.memory_space<vmem>>, vector<16xf32>,
    %swap3A_538 = vector.shape_cast %swap3A_537 : vector<16xf32> to vector<16xf32>
    %swap3A_539 = vector.shape_cast %div3A_380 : vector<16xf32> to vector<16xf32>
    tpu.vector_store %arg7[%swap3A_536], %swap3A_539 {strides = array<i32>} : memref<1024xf32, #tpu.memory_space<vmem>>, vector<16xf32>,
    %swap3A_540 = arith.constant 256 : index
    %swap3A_541 = tpu.vector_load %arg7[%swap3A_540] {strides = array<i32>} : memref<1024xf32, #tpu.memory_space<vmem>>, vector<16xf32>,
    %swap3A_542 = vector.shape_cast %swap3A_541 : vector<16xf32> to vector<16xf32>
    %swap3A_543 = vector.shape_cast %div3A_386 : vector<16xf32> to vector<16xf32>
    tpu.vector_store %arg7[%swap3A_540], %swap3A_543 {strides = array<i32>} : memref<1024xf32, #tpu.memory_space<vmem>>, vector<16xf32>,
    %swap3A_544 = arith.constant 272 : index
    %swap3A_545 = tpu.vector_load %arg7[%swap3A_544] {strides = array<i32>} : memref<1024xf32, #tpu.memory_space<vmem>>, vector<16xf32>,
    %swap3A_546 = vector.shape_cast %swap3A_545 : vector<16xf32> to vector<16xf32>
    %swap3A_547 = vector.shape_cast %div3A_392 : vector<16xf32> to vector<16xf32>
    tpu.vector_store %arg7[%swap3A_544], %swap3A_547 {strides = array<i32>} : memref<1024xf32, #tpu.memory_space<vmem>>, vector<16xf32>,
    %swap3A_548 = arith.constant 288 : index
    %swap3A_549 = tpu.vector_load %arg7[%swap3A_548] {strides = array<i32>} : memref<1024xf32, #tpu.memory_space<vmem>>, vector<16xf32>,
    %swap3A_550 = vector.shape_cast %swap3A_549 : vector<16xf32> to vector<16xf32>
    %swap3A_551 = vector.shape_cast %div3A_398 : vector<16xf32> to vector<16xf32>
    tpu.vector_store %arg7[%swap3A_548], %swap3A_551 {strides = array<i32>} : memref<1024xf32, #tpu.memory_space<vmem>>, vector<16xf32>,
    %swap3A_552 = arith.constant 304 : index
    %swap3A_553 = tpu.vector_load %arg7[%swap3A_552] {strides = array<i32>} : memref<1024xf32, #tpu.memory_space<vmem>>, vector<16xf32>,
    %swap3A_554 = vector.shape_cast %swap3A_553 : vector<16xf32> to vector<16xf32>
    %swap3A_555 = vector.shape_cast %div3A_404 : vector<16xf32> to vector<16xf32>
    tpu.vector_store %arg7[%swap3A_552], %swap3A_555 {strides = array<i32>} : memref<1024xf32, #tpu.memory_space<vmem>>, vector<16xf32>,
    %swap3A_556 = arith.constant 320 : index
    %swap3A_557 = tpu.vector_load %arg7[%swap3A_556] {strides = array<i32>} : memref<1024xf32, #tpu.memory_space<vmem>>, vector<16xf32>,
    %swap3A_558 = vector.shape_cast %swap3A_557 : vector<16xf32> to vector<16xf32>
    %swap3A_559 = vector.shape_cast %div3A_410 : vector<16xf32> to vector<16xf32>
    tpu.vector_store %arg7[%swap3A_556], %swap3A_559 {strides = array<i32>} : memref<1024xf32, #tpu.memory_space<vmem>>, vector<16xf32>,
    %swap3A_560 = arith.constant 336 : index
    %swap3A_561 = tpu.vector_load %arg7[%swap3A_560] {strides = array<i32>} : memref<1024xf32, #tpu.memory_space<vmem>>, vector<16xf32>,
    %swap3A_562 = vector.shape_cast %swap3A_561 : vector<16xf32> to vector<16xf32>
    %swap3A_563 = vector.shape_cast %div3A_416 : vector<16xf32> to vector<16xf32>
    tpu.vector_store %arg7[%swap3A_560], %swap3A_563 {strides = array<i32>} : memref<1024xf32, #tpu.memory_space<vmem>>, vector<16xf32>,
    %swap3A_564 = arith.constant 352 : index
    %swap3A_565 = tpu.vector_load %arg7[%swap3A_564] {strides = array<i32>} : memref<1024xf32, #tpu.memory_space<vmem>>, vector<16xf32>,
    %swap3A_566 = vector.shape_cast %swap3A_565 : vector<16xf32> to vector<16xf32>
    %swap3A_567 = vector.shape_cast %div3A_422 : vector<16xf32> to vector<16xf32>
    tpu.vector_store %arg7[%swap3A_564], %swap3A_567 {strides = array<i32>} : memref<1024xf32, #tpu.memory_space<vmem>>, vector<16xf32>,
    %swap3A_568 = arith.constant 368 : index
    %swap3A_569 = tpu.vector_load %arg7[%swap3A_568] {strides = array<i32>} : memref<1024xf32, #tpu.memory_space<vmem>>, vector<16xf32>,
    %swap3A_570 = vector.shape_cast %swap3A_569 : vector<16xf32> to vector<16xf32>
    %swap3A_571 = vector.shape_cast %div3A_428 : vector<16xf32> to vector<16xf32>
    tpu.vector_store %arg7[%swap3A_568], %swap3A_571 {strides = array<i32>} : memref<1024xf32, #tpu.memory_space<vmem>>, vector<16xf32>,
    %swap3A_572 = arith.constant 384 : index
    %swap3A_573 = tpu.vector_load %arg7[%swap3A_572] {strides = array<i32>} : memref<1024xf32, #tpu.memory_space<vmem>>, vector<16xf32>,
    %swap3A_574 = vector.shape_cast %swap3A_573 : vector<16xf32> to vector<16xf32>
    %swap3A_575 = vector.shape_cast %div3A_434 : vector<16xf32> to vector<16xf32>
    tpu.vector_store %arg7[%swap3A_572], %swap3A_575 {strides = array<i32>} : memref<1024xf32, #tpu.memory_space<vmem>>, vector<16xf32>,
    %swap3A_576 = arith.constant 400 : index
    %swap3A_577 = tpu.vector_load %arg7[%swap3A_576] {strides = array<i32>} : memref<1024xf32, #tpu.memory_space<vmem>>, vector<16xf32>,
    %swap3A_578 = vector.shape_cast %swap3A_577 : vector<16xf32> to vector<16xf32>
    %swap3A_579 = vector.shape_cast %div3A_440 : vector<16xf32> to vector<16xf32>
    tpu.vector_store %arg7[%swap3A_576], %swap3A_579 {strides = array<i32>} : memref<1024xf32, #tpu.memory_space<vmem>>, vector<16xf32>,
    %swap3A_580 = arith.constant 416 : index
    %swap3A_581 = tpu.vector_load %arg7[%swap3A_580] {strides = array<i32>} : memref<1024xf32, #tpu.memory_space<vmem>>, vector<16xf32>,
    %swap3A_582 = vector.shape_cast %swap3A_581 : vector<16xf32> to vector<16xf32>
    %swap3A_583 = vector.shape_cast %div3A_446 : vector<16xf32> to vector<16xf32>
    tpu.vector_store %arg7[%swap3A_580], %swap3A_583 {strides = array<i32>} : memref<1024xf32, #tpu.memory_space<vmem>>, vector<16xf32>,
    %swap3A_584 = arith.constant 432 : index
    %swap3A_585 = tpu.vector_load %arg7[%swap3A_584] {strides = array<i32>} : memref<1024xf32, #tpu.memory_space<vmem>>, vector<16xf32>,
    %swap3A_586 = vector.shape_cast %swap3A_585 : vector<16xf32> to vector<16xf32>
    %swap3A_587 = vector.shape_cast %div3A_452 : vector<16xf32> to vector<16xf32>
    tpu.vector_store %arg7[%swap3A_584], %swap3A_587 {strides = array<i32>} : memref<1024xf32, #tpu.memory_space<vmem>>, vector<16xf32>,
    %swap3A_588 = arith.constant 448 : index
    %swap3A_589 = tpu.vector_load %arg7[%swap3A_588] {strides = array<i32>} : memref<1024xf32, #tpu.memory_space<vmem>>, vector<16xf32>,
    %swap3A_590 = vector.shape_cast %swap3A_589 : vector<16xf32> to vector<16xf32>
    %swap3A_591 = vector.shape_cast %div3A_458 : vector<16xf32> to vector<16xf32>
    tpu.vector_store %arg7[%swap3A_588], %swap3A_591 {strides = array<i32>} : memref<1024xf32, #tpu.memory_space<vmem>>, vector<16xf32>,
    %swap3A_592 = arith.constant 464 : index
    %swap3A_593 = tpu.vector_load %arg7[%swap3A_592] {strides = array<i32>} : memref<1024xf32, #tpu.memory_space<vmem>>, vector<16xf32>,
    %swap3A_594 = vector.shape_cast %swap3A_593 : vector<16xf32> to vector<16xf32>
    %swap3A_595 = vector.shape_cast %div3A_464 : vector<16xf32> to vector<16xf32>
    tpu.vector_store %arg7[%swap3A_592], %swap3A_595 {strides = array<i32>} : memref<1024xf32, #tpu.memory_space<vmem>>, vector<16xf32>,
    %swap3A_596 = arith.constant 480 : index
    %swap3A_597 = tpu.vector_load %arg7[%swap3A_596] {strides = array<i32>} : memref<1024xf32, #tpu.memory_space<vmem>>, vector<16xf32>,
    %swap3A_598 = vector.shape_cast %swap3A_597 : vector<16xf32> to vector<16xf32>
    %swap3A_599 = vector.shape_cast %div3A_470 : vector<16xf32> to vector<16xf32>
    tpu.vector_store %arg7[%swap3A_596], %swap3A_599 {strides = array<i32>} : memref<1024xf32, #tpu.memory_space<vmem>>, vector<16xf32>,
    %swap3A_600 = arith.constant 496 : index
    %swap3A_601 = tpu.vector_load %arg7[%swap3A_600] {strides = array<i32>} : memref<1024xf32, #tpu.memory_space<vmem>>, vector<16xf32>,
    %swap3A_602 = vector.shape_cast %swap3A_601 : vector<16xf32> to vector<16xf32>
    %swap3A_603 = vector.shape_cast %div3A_476 : vector<16xf32> to vector<16xf32>
    tpu.vector_store %arg7[%swap3A_600], %swap3A_603 {strides = array<i32>} : memref<1024xf32, #tpu.memory_space<vmem>>, vector<16xf32>,
    %add3A_604 = arith.constant 0 : i32
    %add3A_605 = arith.addi %mul3A_0, %add3A_604 : i32
    %dma_start3A_606 = arith.constant 0 : i32
    %dma_start3A_607 = tpu.memref_slice %arg7[%dma_start3A_606] : memref<1024xf32, #tpu.memory_space<vmem>> -> memref<512xf32, #tpu.memory_space<vmem>>
    %dma_start3A_608 = tpu.memref_slice %arg4[%add3A_605] : memref<16384xf32, #tpu.memory_space<hbm>> -> memref<512xf32, #tpu.memory_space<hbm>>
    %dma_start3A_609 = tpu.memref_slice %arg4[%add3A_605] : memref<16384xf32, #tpu.memory_space<hbm>> -> memref<512xf32, #tpu.memory_space<hbm>>
    %dma_start3A_610 = arith.constant 0 : i32
    %dma_start3A_611 = tpu.memref_slice %arg7[%dma_start3A_610] : memref<1024xf32, #tpu.memory_space<vmem>> -> memref<512xf32, #tpu.memory_space<vmem>>
    tpu.enqueue_dma source(%dma_start3A_611 : memref<512xf32, #tpu.memory_space<vmem>>) target(%dma_start3A_609 : memref<512xf32, #tpu.memory_space<hbm>>) target_semaphore(%arg10 : memref<!tpu.dma_semaphore, #tpu.memory_space<semaphore_mem>>)
    %dma_wait3A_612 = arith.constant 1 : i32
    %dma_wait3A_613 = arith.constant 512 : i32
    %dma_wait3A_614 = tpu.memref_slice %arg6[%dma_wait3A_613] : memref<1024xf32, #tpu.memory_space<vmem>> -> memref<512xf32, #tpu.memory_space<vmem>>
    %dma_wait3A_615 = arith.constant 512 : i32
    %dma_wait3A_616 = tpu.memref_slice %arg5[%dma_wait3A_615] : memref<1024xi32, #tpu.memory_space<vmem>> -> memref<512xi32, #tpu.memory_space<vmem>>
    %dma_wait3A_617 = arith.constant 0 : i32
    %dma_wait3A_618 = tpu.memref_slice %arg3[%dma_wait3A_617] : memref<1000000xf32, #tpu.memory_space<hbm>> -> memref<1000000xf32, #tpu.memory_space<hbm>>
    %dma_wait3A_619 = tpu.memref_slice %arg9[%dma_wait3A_612] : memref<2x!tpu.dma_semaphore, #tpu.memory_space<semaphore_mem>> -> memref<1x!tpu.dma_semaphore, #tpu.memory_space<semaphore_mem>>
    %dma_wait3A_620 = tpu.memref_squeeze %dma_wait3A_619 : memref<1x!tpu.dma_semaphore, #tpu.memory_space<semaphore_mem>> -> memref<!tpu.dma_semaphore, #tpu.memory_space<semaphore_mem>>
    tpu.wait_indirect_dma semaphore(%dma_wait3A_620 : memref<!tpu.dma_semaphore, #tpu.memory_space<semaphore_mem>>) src(%dma_wait3A_618 : memref<1000000xf32, #tpu.memory_space<hbm>>) dst(%dma_wait3A_614 : memref<512xf32, #tpu.memory_space<vmem>>)
    %get3A_621 = arith.constant 512 : index
    %get3A_622 = tpu.vector_load %arg6[%get3A_621] {strides = array<i32>} : memref<1024xf32, #tpu.memory_space<vmem>>, vector<16xf32>,
    %get3A_623 = vector.shape_cast %get3A_622 : vector<16xf32> to vector<16xf32>
    %get3A_624 = arith.constant 528 : index
    %get3A_625 = tpu.vector_load %arg6[%get3A_624] {strides = array<i32>} : memref<1024xf32, #tpu.memory_space<vmem>>, vector<16xf32>,
    %get3A_626 = vector.shape_cast %get3A_625 : vector<16xf32> to vector<16xf32>
    %get3A_627 = arith.constant 544 : index
    %get3A_628 = tpu.vector_load %arg6[%get3A_627] {strides = array<i32>} : memref<1024xf32, #tpu.memory_space<vmem>>, vector<16xf32>,
    %get3A_629 = vector.shape_cast %get3A_628 : vector<16xf32> to vector<16xf32>
    %get3A_630 = arith.constant 560 : index
    %get3A_631 = tpu.vector_load %arg6[%get3A_630] {strides = array<i32>} : memref<1024xf32, #tpu.memory_space<vmem>>, vector<16xf32>,
    %get3A_632 = vector.shape_cast %get3A_631 : vector<16xf32> to vector<16xf32>
    %get3A_633 = arith.constant 576 : index
    %get3A_634 = tpu.vector_load %arg6[%get3A_633] {strides = array<i32>} : memref<1024xf32, #tpu.memory_space<vmem>>, vector<16xf32>,
    %get3A_635 = vector.shape_cast %get3A_634 : vector<16xf32> to vector<16xf32>
    %get3A_636 = arith.constant 592 : index
    %get3A_637 = tpu.vector_load %arg6[%get3A_636] {strides = array<i32>} : memref<1024xf32, #tpu.memory_space<vmem>>, vector<16xf32>,
    %get3A_638 = vector.shape_cast %get3A_637 : vector<16xf32> to vector<16xf32>
    %get3A_639 = arith.constant 608 : index
    %get3A_640 = tpu.vector_load %arg6[%get3A_639] {strides = array<i32>} : memref<1024xf32, #tpu.memory_space<vmem>>, vector<16xf32>,
    %get3A_641 = vector.shape_cast %get3A_640 : vector<16xf32> to vector<16xf32>
    %get3A_642 = arith.constant 624 : index
    %get3A_643 = tpu.vector_load %arg6[%get3A_642] {strides = array<i32>} : memref<1024xf32, #tpu.memory_space<vmem>>, vector<16xf32>,
    %get3A_644 = vector.shape_cast %get3A_643 : vector<16xf32> to vector<16xf32>
    %get3A_645 = arith.constant 640 : index
    %get3A_646 = tpu.vector_load %arg6[%get3A_645] {strides = array<i32>} : memref<1024xf32, #tpu.memory_space<vmem>>, vector<16xf32>,
    %get3A_647 = vector.shape_cast %get3A_646 : vector<16xf32> to vector<16xf32>
    %get3A_648 = arith.constant 656 : index
    %get3A_649 = tpu.vector_load %arg6[%get3A_648] {strides = array<i32>} : memref<1024xf32, #tpu.memory_space<vmem>>, vector<16xf32>,
    %get3A_650 = vector.shape_cast %get3A_649 : vector<16xf32> to vector<16xf32>
    %get3A_651 = arith.constant 672 : index
    %get3A_652 = tpu.vector_load %arg6[%get3A_651] {strides = array<i32>} : memref<1024xf32, #tpu.memory_space<vmem>>, vector<16xf32>,
    %get3A_653 = vector.shape_cast %get3A_652 : vector<16xf32> to vector<16xf32>
    %get3A_654 = arith.constant 688 : index
    %get3A_655 = tpu.vector_load %arg6[%get3A_654] {strides = array<i32>} : memref<1024xf32, #tpu.memory_space<vmem>>, vector<16xf32>,
    %get3A_656 = vector.shape_cast %get3A_655 : vector<16xf32> to vector<16xf32>
    %get3A_657 = arith.constant 704 : index
    %get3A_658 = tpu.vector_load %arg6[%get3A_657] {strides = array<i32>} : memref<1024xf32, #tpu.memory_space<vmem>>, vector<16xf32>,
    %get3A_659 = vector.shape_cast %get3A_658 : vector<16xf32> to vector<16xf32>
    %get3A_660 = arith.constant 720 : index
    %get3A_661 = tpu.vector_load %arg6[%get3A_660] {strides = array<i32>} : memref<1024xf32, #tpu.memory_space<vmem>>, vector<16xf32>,
    %get3A_662 = vector.shape_cast %get3A_661 : vector<16xf32> to vector<16xf32>
    %get3A_663 = arith.constant 736 : index
    %get3A_664 = tpu.vector_load %arg6[%get3A_663] {strides = array<i32>} : memref<1024xf32, #tpu.memory_space<vmem>>, vector<16xf32>,
    %get3A_665 = vector.shape_cast %get3A_664 : vector<16xf32> to vector<16xf32>
    %get3A_666 = arith.constant 752 : index
    %get3A_667 = tpu.vector_load %arg6[%get3A_666] {strides = array<i32>} : memref<1024xf32, #tpu.memory_space<vmem>>, vector<16xf32>,
    %get3A_668 = vector.shape_cast %get3A_667 : vector<16xf32> to vector<16xf32>
    %get3A_669 = arith.constant 768 : index
    %get3A_670 = tpu.vector_load %arg6[%get3A_669] {strides = array<i32>} : memref<1024xf32, #tpu.memory_space<vmem>>, vector<16xf32>,
    %get3A_671 = vector.shape_cast %get3A_670 : vector<16xf32> to vector<16xf32>
    %get3A_672 = arith.constant 784 : index
    %get3A_673 = tpu.vector_load %arg6[%get3A_672] {strides = array<i32>} : memref<1024xf32, #tpu.memory_space<vmem>>, vector<16xf32>,
    %get3A_674 = vector.shape_cast %get3A_673 : vector<16xf32> to vector<16xf32>
    %get3A_675 = arith.constant 800 : index
    %get3A_676 = tpu.vector_load %arg6[%get3A_675] {strides = array<i32>} : memref<1024xf32, #tpu.memory_space<vmem>>, vector<16xf32>,
    %get3A_677 = vector.shape_cast %get3A_676 : vector<16xf32> to vector<16xf32>
    %get3A_678 = arith.constant 816 : index
    %get3A_679 = tpu.vector_load %arg6[%get3A_678] {strides = array<i32>} : memref<1024xf32, #tpu.memory_space<vmem>>, vector<16xf32>,
    %get3A_680 = vector.shape_cast %get3A_679 : vector<16xf32> to vector<16xf32>
    %get3A_681 = arith.constant 832 : index
    %get3A_682 = tpu.vector_load %arg6[%get3A_681] {strides = array<i32>} : memref<1024xf32, #tpu.memory_space<vmem>>, vector<16xf32>,
    %get3A_683 = vector.shape_cast %get3A_682 : vector<16xf32> to vector<16xf32>
    %get3A_684 = arith.constant 848 : index
    %get3A_685 = tpu.vector_load %arg6[%get3A_684] {strides = array<i32>} : memref<1024xf32, #tpu.memory_space<vmem>>, vector<16xf32>,
    %get3A_686 = vector.shape_cast %get3A_685 : vector<16xf32> to vector<16xf32>
    %get3A_687 = arith.constant 864 : index
    %get3A_688 = tpu.vector_load %arg6[%get3A_687] {strides = array<i32>} : memref<1024xf32, #tpu.memory_space<vmem>>, vector<16xf32>,
    %get3A_689 = vector.shape_cast %get3A_688 : vector<16xf32> to vector<16xf32>
    %get3A_690 = arith.constant 880 : index
    %get3A_691 = tpu.vector_load %arg6[%get3A_690] {strides = array<i32>} : memref<1024xf32, #tpu.memory_space<vmem>>, vector<16xf32>,
    %get3A_692 = vector.shape_cast %get3A_691 : vector<16xf32> to vector<16xf32>
    %get3A_693 = arith.constant 896 : index
    %get3A_694 = tpu.vector_load %arg6[%get3A_693] {strides = array<i32>} : memref<1024xf32, #tpu.memory_space<vmem>>, vector<16xf32>,
    %get3A_695 = vector.shape_cast %get3A_694 : vector<16xf32> to vector<16xf32>
    %get3A_696 = arith.constant 912 : index
    %get3A_697 = tpu.vector_load %arg6[%get3A_696] {strides = array<i32>} : memref<1024xf32, #tpu.memory_space<vmem>>, vector<16xf32>,
    %get3A_698 = vector.shape_cast %get3A_697 : vector<16xf32> to vector<16xf32>
    %get3A_699 = arith.constant 928 : index
    %get3A_700 = tpu.vector_load %arg6[%get3A_699] {strides = array<i32>} : memref<1024xf32, #tpu.memory_space<vmem>>, vector<16xf32>,
    %get3A_701 = vector.shape_cast %get3A_700 : vector<16xf32> to vector<16xf32>
    %get3A_702 = arith.constant 944 : index
    %get3A_703 = tpu.vector_load %arg6[%get3A_702] {strides = array<i32>} : memref<1024xf32, #tpu.memory_space<vmem>>, vector<16xf32>,
    %get3A_704 = vector.shape_cast %get3A_703 : vector<16xf32> to vector<16xf32>
    %get3A_705 = arith.constant 960 : index
    %get3A_706 = tpu.vector_load %arg6[%get3A_705] {strides = array<i32>} : memref<1024xf32, #tpu.memory_space<vmem>>, vector<16xf32>,
    %get3A_707 = vector.shape_cast %get3A_706 : vector<16xf32> to vector<16xf32>
    %get3A_708 = arith.constant 976 : index
    %get3A_709 = tpu.vector_load %arg6[%get3A_708] {strides = array<i32>} : memref<1024xf32, #tpu.memory_space<vmem>>, vector<16xf32>,
    %get3A_710 = vector.shape_cast %get3A_709 : vector<16xf32> to vector<16xf32>
    %get3A_711 = arith.constant 992 : index
    %get3A_712 = tpu.vector_load %arg6[%get3A_711] {strides = array<i32>} : memref<1024xf32, #tpu.memory_space<vmem>>, vector<16xf32>,
    %get3A_713 = vector.shape_cast %get3A_712 : vector<16xf32> to vector<16xf32>
    %get3A_714 = arith.constant 1008 : index
    %get3A_715 = tpu.vector_load %arg6[%get3A_714] {strides = array<i32>} : memref<1024xf32, #tpu.memory_space<vmem>>, vector<16xf32>,
    %get3A_716 = vector.shape_cast %get3A_715 : vector<16xf32> to vector<16xf32>
    %neg3A_717 = arith.constant 0.000000e+00 : f32
    %neg3A_718 = vector.broadcast %neg3A_717 : f32 to vector<16xf32>
    %neg3A_719 = arith.subf %neg3A_718, %get3A_623 : vector<16xf32>
    %exp3A_720 = math.exp %neg3A_719 : vector<16xf32>
    %neg3A_721 = arith.constant 0.000000e+00 : f32
    %neg3A_722 = vector.broadcast %neg3A_721 : f32 to vector<16xf32>
    %neg3A_723 = arith.subf %neg3A_722, %get3A_626 : vector<16xf32>
    %exp3A_724 = math.exp %neg3A_723 : vector<16xf32>
    %neg3A_725 = arith.constant 0.000000e+00 : f32
    %neg3A_726 = vector.broadcast %neg3A_725 : f32 to vector<16xf32>
    %neg3A_727 = arith.subf %neg3A_726, %get3A_629 : vector<16xf32>
    %exp3A_728 = math.exp %neg3A_727 : vector<16xf32>
    %neg3A_729 = arith.constant 0.000000e+00 : f32
    %neg3A_730 = vector.broadcast %neg3A_729 : f32 to vector<16xf32>
    %neg3A_731 = arith.subf %neg3A_730, %get3A_632 : vector<16xf32>
    %exp3A_732 = math.exp %neg3A_731 : vector<16xf32>
    %neg3A_733 = arith.constant 0.000000e+00 : f32
    %neg3A_734 = vector.broadcast %neg3A_733 : f32 to vector<16xf32>
    %neg3A_735 = arith.subf %neg3A_734, %get3A_635 : vector<16xf32>
    %exp3A_736 = math.exp %neg3A_735 : vector<16xf32>
    %neg3A_737 = arith.constant 0.000000e+00 : f32
    %neg3A_738 = vector.broadcast %neg3A_737 : f32 to vector<16xf32>
    %neg3A_739 = arith.subf %neg3A_738, %get3A_638 : vector<16xf32>
    %exp3A_740 = math.exp %neg3A_739 : vector<16xf32>
    %neg3A_741 = arith.constant 0.000000e+00 : f32
    %neg3A_742 = vector.broadcast %neg3A_741 : f32 to vector<16xf32>
    %neg3A_743 = arith.subf %neg3A_742, %get3A_641 : vector<16xf32>
    %exp3A_744 = math.exp %neg3A_743 : vector<16xf32>
    %neg3A_745 = arith.constant 0.000000e+00 : f32
    %neg3A_746 = vector.broadcast %neg3A_745 : f32 to vector<16xf32>
    %neg3A_747 = arith.subf %neg3A_746, %get3A_644 : vector<16xf32>
    %exp3A_748 = math.exp %neg3A_747 : vector<16xf32>
    %neg3A_749 = arith.constant 0.000000e+00 : f32
    %neg3A_750 = vector.broadcast %neg3A_749 : f32 to vector<16xf32>
    %neg3A_751 = arith.subf %neg3A_750, %get3A_647 : vector<16xf32>
    %exp3A_752 = math.exp %neg3A_751 : vector<16xf32>
    %neg3A_753 = arith.constant 0.000000e+00 : f32
    %neg3A_754 = vector.broadcast %neg3A_753 : f32 to vector<16xf32>
    %neg3A_755 = arith.subf %neg3A_754, %get3A_650 : vector<16xf32>
    %exp3A_756 = math.exp %neg3A_755 : vector<16xf32>
    %neg3A_757 = arith.constant 0.000000e+00 : f32
    %neg3A_758 = vector.broadcast %neg3A_757 : f32 to vector<16xf32>
    %neg3A_759 = arith.subf %neg3A_758, %get3A_653 : vector<16xf32>
    %exp3A_760 = math.exp %neg3A_759 : vector<16xf32>
    %neg3A_761 = arith.constant 0.000000e+00 : f32
    %neg3A_762 = vector.broadcast %neg3A_761 : f32 to vector<16xf32>
    %neg3A_763 = arith.subf %neg3A_762, %get3A_656 : vector<16xf32>
    %exp3A_764 = math.exp %neg3A_763 : vector<16xf32>
    %neg3A_765 = arith.constant 0.000000e+00 : f32
    %neg3A_766 = vector.broadcast %neg3A_765 : f32 to vector<16xf32>
    %neg3A_767 = arith.subf %neg3A_766, %get3A_659 : vector<16xf32>
    %exp3A_768 = math.exp %neg3A_767 : vector<16xf32>
    %neg3A_769 = arith.constant 0.000000e+00 : f32
    %neg3A_770 = vector.broadcast %neg3A_769 : f32 to vector<16xf32>
    %neg3A_771 = arith.subf %neg3A_770, %get3A_662 : vector<16xf32>
    %exp3A_772 = math.exp %neg3A_771 : vector<16xf32>
    %neg3A_773 = arith.constant 0.000000e+00 : f32
    %neg3A_774 = vector.broadcast %neg3A_773 : f32 to vector<16xf32>
    %neg3A_775 = arith.subf %neg3A_774, %get3A_665 : vector<16xf32>
    %exp3A_776 = math.exp %neg3A_775 : vector<16xf32>
    %neg3A_777 = arith.constant 0.000000e+00 : f32
    %neg3A_778 = vector.broadcast %neg3A_777 : f32 to vector<16xf32>
    %neg3A_779 = arith.subf %neg3A_778, %get3A_668 : vector<16xf32>
    %exp3A_780 = math.exp %neg3A_779 : vector<16xf32>
    %neg3A_781 = arith.constant 0.000000e+00 : f32
    %neg3A_782 = vector.broadcast %neg3A_781 : f32 to vector<16xf32>
    %neg3A_783 = arith.subf %neg3A_782, %get3A_671 : vector<16xf32>
    %exp3A_784 = math.exp %neg3A_783 : vector<16xf32>
    %neg3A_785 = arith.constant 0.000000e+00 : f32
    %neg3A_786 = vector.broadcast %neg3A_785 : f32 to vector<16xf32>
    %neg3A_787 = arith.subf %neg3A_786, %get3A_674 : vector<16xf32>
    %exp3A_788 = math.exp %neg3A_787 : vector<16xf32>
    %neg3A_789 = arith.constant 0.000000e+00 : f32
    %neg3A_790 = vector.broadcast %neg3A_789 : f32 to vector<16xf32>
    %neg3A_791 = arith.subf %neg3A_790, %get3A_677 : vector<16xf32>
    %exp3A_792 = math.exp %neg3A_791 : vector<16xf32>
    %neg3A_793 = arith.constant 0.000000e+00 : f32
    %neg3A_794 = vector.broadcast %neg3A_793 : f32 to vector<16xf32>
    %neg3A_795 = arith.subf %neg3A_794, %get3A_680 : vector<16xf32>
    %exp3A_796 = math.exp %neg3A_795 : vector<16xf32>
    %neg3A_797 = arith.constant 0.000000e+00 : f32
    %neg3A_798 = vector.broadcast %neg3A_797 : f32 to vector<16xf32>
    %neg3A_799 = arith.subf %neg3A_798, %get3A_683 : vector<16xf32>
    %exp3A_800 = math.exp %neg3A_799 : vector<16xf32>
    %neg3A_801 = arith.constant 0.000000e+00 : f32
    %neg3A_802 = vector.broadcast %neg3A_801 : f32 to vector<16xf32>
    %neg3A_803 = arith.subf %neg3A_802, %get3A_686 : vector<16xf32>
    %exp3A_804 = math.exp %neg3A_803 : vector<16xf32>
    %neg3A_805 = arith.constant 0.000000e+00 : f32
    %neg3A_806 = vector.broadcast %neg3A_805 : f32 to vector<16xf32>
    %neg3A_807 = arith.subf %neg3A_806, %get3A_689 : vector<16xf32>
    %exp3A_808 = math.exp %neg3A_807 : vector<16xf32>
    %neg3A_809 = arith.constant 0.000000e+00 : f32
    %neg3A_810 = vector.broadcast %neg3A_809 : f32 to vector<16xf32>
    %neg3A_811 = arith.subf %neg3A_810, %get3A_692 : vector<16xf32>
    %exp3A_812 = math.exp %neg3A_811 : vector<16xf32>
    %neg3A_813 = arith.constant 0.000000e+00 : f32
    %neg3A_814 = vector.broadcast %neg3A_813 : f32 to vector<16xf32>
    %neg3A_815 = arith.subf %neg3A_814, %get3A_695 : vector<16xf32>
    %exp3A_816 = math.exp %neg3A_815 : vector<16xf32>
    %neg3A_817 = arith.constant 0.000000e+00 : f32
    %neg3A_818 = vector.broadcast %neg3A_817 : f32 to vector<16xf32>
    %neg3A_819 = arith.subf %neg3A_818, %get3A_698 : vector<16xf32>
    %exp3A_820 = math.exp %neg3A_819 : vector<16xf32>
    %neg3A_821 = arith.constant 0.000000e+00 : f32
    %neg3A_822 = vector.broadcast %neg3A_821 : f32 to vector<16xf32>
    %neg3A_823 = arith.subf %neg3A_822, %get3A_701 : vector<16xf32>
    %exp3A_824 = math.exp %neg3A_823 : vector<16xf32>
    %neg3A_825 = arith.constant 0.000000e+00 : f32
    %neg3A_826 = vector.broadcast %neg3A_825 : f32 to vector<16xf32>
    %neg3A_827 = arith.subf %neg3A_826, %get3A_704 : vector<16xf32>
    %exp3A_828 = math.exp %neg3A_827 : vector<16xf32>
    %neg3A_829 = arith.constant 0.000000e+00 : f32
    %neg3A_830 = vector.broadcast %neg3A_829 : f32 to vector<16xf32>
    %neg3A_831 = arith.subf %neg3A_830, %get3A_707 : vector<16xf32>
    %exp3A_832 = math.exp %neg3A_831 : vector<16xf32>
    %neg3A_833 = arith.constant 0.000000e+00 : f32
    %neg3A_834 = vector.broadcast %neg3A_833 : f32 to vector<16xf32>
    %neg3A_835 = arith.subf %neg3A_834, %get3A_710 : vector<16xf32>
    %exp3A_836 = math.exp %neg3A_835 : vector<16xf32>
    %neg3A_837 = arith.constant 0.000000e+00 : f32
    %neg3A_838 = vector.broadcast %neg3A_837 : f32 to vector<16xf32>
    %neg3A_839 = arith.subf %neg3A_838, %get3A_713 : vector<16xf32>
    %exp3A_840 = math.exp %neg3A_839 : vector<16xf32>
    %neg3A_841 = arith.constant 0.000000e+00 : f32
    %neg3A_842 = vector.broadcast %neg3A_841 : f32 to vector<16xf32>
    %neg3A_843 = arith.subf %neg3A_842, %get3A_716 : vector<16xf32>
    %exp3A_844 = math.exp %neg3A_843 : vector<16xf32>
    %add3A_845 = arith.constant 1.000000e+00 : f32
    %add3A_846 = vector.broadcast %add3A_845 : f32 to vector<16xf32>
    %add3A_847 = arith.addf %add3A_846, %exp3A_720 : vector<16xf32>
    %div3A_848 = arith.constant 1.000000e+00 : f32
    %div3A_849 = vector.broadcast %div3A_848 : f32 to vector<16xf32>
    %div3A_850 = arith.divf %div3A_849, %add3A_847 : vector<16xf32>
    %add3A_851 = arith.constant 1.000000e+00 : f32
    %add3A_852 = vector.broadcast %add3A_851 : f32 to vector<16xf32>
    %add3A_853 = arith.addf %add3A_852, %exp3A_724 : vector<16xf32>
    %div3A_854 = arith.constant 1.000000e+00 : f32
    %div3A_855 = vector.broadcast %div3A_854 : f32 to vector<16xf32>
    %div3A_856 = arith.divf %div3A_855, %add3A_853 : vector<16xf32>
    %add3A_857 = arith.constant 1.000000e+00 : f32
    %add3A_858 = vector.broadcast %add3A_857 : f32 to vector<16xf32>
    %add3A_859 = arith.addf %add3A_858, %exp3A_728 : vector<16xf32>
    %div3A_860 = arith.constant 1.000000e+00 : f32
    %div3A_861 = vector.broadcast %div3A_860 : f32 to vector<16xf32>
    %div3A_862 = arith.divf %div3A_861, %add3A_859 : vector<16xf32>
    %add3A_863 = arith.constant 1.000000e+00 : f32
    %add3A_864 = vector.broadcast %add3A_863 : f32 to vector<16xf32>
    %add3A_865 = arith.addf %add3A_864, %exp3A_732 : vector<16xf32>
    %div3A_866 = arith.constant 1.000000e+00 : f32
    %div3A_867 = vector.broadcast %div3A_866 : f32 to vector<16xf32>
    %div3A_868 = arith.divf %div3A_867, %add3A_865 : vector<16xf32>
    %add3A_869 = arith.constant 1.000000e+00 : f32
    %add3A_870 = vector.broadcast %add3A_869 : f32 to vector<16xf32>
    %add3A_871 = arith.addf %add3A_870, %exp3A_736 : vector<16xf32>
    %div3A_872 = arith.constant 1.000000e+00 : f32
    %div3A_873 = vector.broadcast %div3A_872 : f32 to vector<16xf32>
    %div3A_874 = arith.divf %div3A_873, %add3A_871 : vector<16xf32>
    %add3A_875 = arith.constant 1.000000e+00 : f32
    %add3A_876 = vector.broadcast %add3A_875 : f32 to vector<16xf32>
    %add3A_877 = arith.addf %add3A_876, %exp3A_740 : vector<16xf32>
    %div3A_878 = arith.constant 1.000000e+00 : f32
    %div3A_879 = vector.broadcast %div3A_878 : f32 to vector<16xf32>
    %div3A_880 = arith.divf %div3A_879, %add3A_877 : vector<16xf32>
    %add3A_881 = arith.constant 1.000000e+00 : f32
    %add3A_882 = vector.broadcast %add3A_881 : f32 to vector<16xf32>
    %add3A_883 = arith.addf %add3A_882, %exp3A_744 : vector<16xf32>
    %div3A_884 = arith.constant 1.000000e+00 : f32
    %div3A_885 = vector.broadcast %div3A_884 : f32 to vector<16xf32>
    %div3A_886 = arith.divf %div3A_885, %add3A_883 : vector<16xf32>
    %add3A_887 = arith.constant 1.000000e+00 : f32
    %add3A_888 = vector.broadcast %add3A_887 : f32 to vector<16xf32>
    %add3A_889 = arith.addf %add3A_888, %exp3A_748 : vector<16xf32>
    %div3A_890 = arith.constant 1.000000e+00 : f32
    %div3A_891 = vector.broadcast %div3A_890 : f32 to vector<16xf32>
    %div3A_892 = arith.divf %div3A_891, %add3A_889 : vector<16xf32>
    %add3A_893 = arith.constant 1.000000e+00 : f32
    %add3A_894 = vector.broadcast %add3A_893 : f32 to vector<16xf32>
    %add3A_895 = arith.addf %add3A_894, %exp3A_752 : vector<16xf32>
    %div3A_896 = arith.constant 1.000000e+00 : f32
    %div3A_897 = vector.broadcast %div3A_896 : f32 to vector<16xf32>
    %div3A_898 = arith.divf %div3A_897, %add3A_895 : vector<16xf32>
    %add3A_899 = arith.constant 1.000000e+00 : f32
    %add3A_900 = vector.broadcast %add3A_899 : f32 to vector<16xf32>
    %add3A_901 = arith.addf %add3A_900, %exp3A_756 : vector<16xf32>
    %div3A_902 = arith.constant 1.000000e+00 : f32
    %div3A_903 = vector.broadcast %div3A_902 : f32 to vector<16xf32>
    %div3A_904 = arith.divf %div3A_903, %add3A_901 : vector<16xf32>
    %add3A_905 = arith.constant 1.000000e+00 : f32
    %add3A_906 = vector.broadcast %add3A_905 : f32 to vector<16xf32>
    %add3A_907 = arith.addf %add3A_906, %exp3A_760 : vector<16xf32>
    %div3A_908 = arith.constant 1.000000e+00 : f32
    %div3A_909 = vector.broadcast %div3A_908 : f32 to vector<16xf32>
    %div3A_910 = arith.divf %div3A_909, %add3A_907 : vector<16xf32>
    %add3A_911 = arith.constant 1.000000e+00 : f32
    %add3A_912 = vector.broadcast %add3A_911 : f32 to vector<16xf32>
    %add3A_913 = arith.addf %add3A_912, %exp3A_764 : vector<16xf32>
    %div3A_914 = arith.constant 1.000000e+00 : f32
    %div3A_915 = vector.broadcast %div3A_914 : f32 to vector<16xf32>
    %div3A_916 = arith.divf %div3A_915, %add3A_913 : vector<16xf32>
    %add3A_917 = arith.constant 1.000000e+00 : f32
    %add3A_918 = vector.broadcast %add3A_917 : f32 to vector<16xf32>
    %add3A_919 = arith.addf %add3A_918, %exp3A_768 : vector<16xf32>
    %div3A_920 = arith.constant 1.000000e+00 : f32
    %div3A_921 = vector.broadcast %div3A_920 : f32 to vector<16xf32>
    %div3A_922 = arith.divf %div3A_921, %add3A_919 : vector<16xf32>
    %add3A_923 = arith.constant 1.000000e+00 : f32
    %add3A_924 = vector.broadcast %add3A_923 : f32 to vector<16xf32>
    %add3A_925 = arith.addf %add3A_924, %exp3A_772 : vector<16xf32>
    %div3A_926 = arith.constant 1.000000e+00 : f32
    %div3A_927 = vector.broadcast %div3A_926 : f32 to vector<16xf32>
    %div3A_928 = arith.divf %div3A_927, %add3A_925 : vector<16xf32>
    %add3A_929 = arith.constant 1.000000e+00 : f32
    %add3A_930 = vector.broadcast %add3A_929 : f32 to vector<16xf32>
    %add3A_931 = arith.addf %add3A_930, %exp3A_776 : vector<16xf32>
    %div3A_932 = arith.constant 1.000000e+00 : f32
    %div3A_933 = vector.broadcast %div3A_932 : f32 to vector<16xf32>
    %div3A_934 = arith.divf %div3A_933, %add3A_931 : vector<16xf32>
    %add3A_935 = arith.constant 1.000000e+00 : f32
    %add3A_936 = vector.broadcast %add3A_935 : f32 to vector<16xf32>
    %add3A_937 = arith.addf %add3A_936, %exp3A_780 : vector<16xf32>
    %div3A_938 = arith.constant 1.000000e+00 : f32
    %div3A_939 = vector.broadcast %div3A_938 : f32 to vector<16xf32>
    %div3A_940 = arith.divf %div3A_939, %add3A_937 : vector<16xf32>
    %add3A_941 = arith.constant 1.000000e+00 : f32
    %add3A_942 = vector.broadcast %add3A_941 : f32 to vector<16xf32>
    %add3A_943 = arith.addf %add3A_942, %exp3A_784 : vector<16xf32>
    %div3A_944 = arith.constant 1.000000e+00 : f32
    %div3A_945 = vector.broadcast %div3A_944 : f32 to vector<16xf32>
    %div3A_946 = arith.divf %div3A_945, %add3A_943 : vector<16xf32>
    %add3A_947 = arith.constant 1.000000e+00 : f32
    %add3A_948 = vector.broadcast %add3A_947 : f32 to vector<16xf32>
    %add3A_949 = arith.addf %add3A_948, %exp3A_788 : vector<16xf32>
    %div3A_950 = arith.constant 1.000000e+00 : f32
    %div3A_951 = vector.broadcast %div3A_950 : f32 to vector<16xf32>
    %div3A_952 = arith.divf %div3A_951, %add3A_949 : vector<16xf32>
    %add3A_953 = arith.constant 1.000000e+00 : f32
    %add3A_954 = vector.broadcast %add3A_953 : f32 to vector<16xf32>
    %add3A_955 = arith.addf %add3A_954, %exp3A_792 : vector<16xf32>
    %div3A_956 = arith.constant 1.000000e+00 : f32
    %div3A_957 = vector.broadcast %div3A_956 : f32 to vector<16xf32>
    %div3A_958 = arith.divf %div3A_957, %add3A_955 : vector<16xf32>
    %add3A_959 = arith.constant 1.000000e+00 : f32
    %add3A_960 = vector.broadcast %add3A_959 : f32 to vector<16xf32>
    %add3A_961 = arith.addf %add3A_960, %exp3A_796 : vector<16xf32>
    %div3A_962 = arith.constant 1.000000e+00 : f32
    %div3A_963 = vector.broadcast %div3A_962 : f32 to vector<16xf32>
    %div3A_964 = arith.divf %div3A_963, %add3A_961 : vector<16xf32>
    %add3A_965 = arith.constant 1.000000e+00 : f32
    %add3A_966 = vector.broadcast %add3A_965 : f32 to vector<16xf32>
    %add3A_967 = arith.addf %add3A_966, %exp3A_800 : vector<16xf32>
    %div3A_968 = arith.constant 1.000000e+00 : f32
    %div3A_969 = vector.broadcast %div3A_968 : f32 to vector<16xf32>
    %div3A_970 = arith.divf %div3A_969, %add3A_967 : vector<16xf32>
    %add3A_971 = arith.constant 1.000000e+00 : f32
    %add3A_972 = vector.broadcast %add3A_971 : f32 to vector<16xf32>
    %add3A_973 = arith.addf %add3A_972, %exp3A_804 : vector<16xf32>
    %div3A_974 = arith.constant 1.000000e+00 : f32
    %div3A_975 = vector.broadcast %div3A_974 : f32 to vector<16xf32>
    %div3A_976 = arith.divf %div3A_975, %add3A_973 : vector<16xf32>
    %add3A_977 = arith.constant 1.000000e+00 : f32
    %add3A_978 = vector.broadcast %add3A_977 : f32 to vector<16xf32>
    %add3A_979 = arith.addf %add3A_978, %exp3A_808 : vector<16xf32>
    %div3A_980 = arith.constant 1.000000e+00 : f32
    %div3A_981 = vector.broadcast %div3A_980 : f32 to vector<16xf32>
    %div3A_982 = arith.divf %div3A_981, %add3A_979 : vector<16xf32>
    %add3A_983 = arith.constant 1.000000e+00 : f32
    %add3A_984 = vector.broadcast %add3A_983 : f32 to vector<16xf32>
    %add3A_985 = arith.addf %add3A_984, %exp3A_812 : vector<16xf32>
    %div3A_986 = arith.constant 1.000000e+00 : f32
    %div3A_987 = vector.broadcast %div3A_986 : f32 to vector<16xf32>
    %div3A_988 = arith.divf %div3A_987, %add3A_985 : vector<16xf32>
    %add3A_989 = arith.constant 1.000000e+00 : f32
    %add3A_990 = vector.broadcast %add3A_989 : f32 to vector<16xf32>
    %add3A_991 = arith.addf %add3A_990, %exp3A_816 : vector<16xf32>
    %div3A_992 = arith.constant 1.000000e+00 : f32
    %div3A_993 = vector.broadcast %div3A_992 : f32 to vector<16xf32>
    %div3A_994 = arith.divf %div3A_993, %add3A_991 : vector<16xf32>
    %add3A_995 = arith.constant 1.000000e+00 : f32
    %add3A_996 = vector.broadcast %add3A_995 : f32 to vector<16xf32>
    %add3A_997 = arith.addf %add3A_996, %exp3A_820 : vector<16xf32>
    %div3A_998 = arith.constant 1.000000e+00 : f32
    %div3A_999 = vector.broadcast %div3A_998 : f32 to vector<16xf32>
    %div3A_1000 = arith.divf %div3A_999, %add3A_997 : vector<16xf32>
    %add3A_1001 = arith.constant 1.000000e+00 : f32
    %add3A_1002 = vector.broadcast %add3A_1001 : f32 to vector<16xf32>
    %add3A_1003 = arith.addf %add3A_1002, %exp3A_824 : vector<16xf32>
    %div3A_1004 = arith.constant 1.000000e+00 : f32
    %div3A_1005 = vector.broadcast %div3A_1004 : f32 to vector<16xf32>
    %div3A_1006 = arith.divf %div3A_1005, %add3A_1003 : vector<16xf32>
    %add3A_1007 = arith.constant 1.000000e+00 : f32
    %add3A_1008 = vector.broadcast %add3A_1007 : f32 to vector<16xf32>
    %add3A_1009 = arith.addf %add3A_1008, %exp3A_828 : vector<16xf32>
    %div3A_1010 = arith.constant 1.000000e+00 : f32
    %div3A_1011 = vector.broadcast %div3A_1010 : f32 to vector<16xf32>
    %div3A_1012 = arith.divf %div3A_1011, %add3A_1009 : vector<16xf32>
    %add3A_1013 = arith.constant 1.000000e+00 : f32
    %add3A_1014 = vector.broadcast %add3A_1013 : f32 to vector<16xf32>
    %add3A_1015 = arith.addf %add3A_1014, %exp3A_832 : vector<16xf32>
    %div3A_1016 = arith.constant 1.000000e+00 : f32
    %div3A_1017 = vector.broadcast %div3A_1016 : f32 to vector<16xf32>
    %div3A_1018 = arith.divf %div3A_1017, %add3A_1015 : vector<16xf32>
    %add3A_1019 = arith.constant 1.000000e+00 : f32
    %add3A_1020 = vector.broadcast %add3A_1019 : f32 to vector<16xf32>
    %add3A_1021 = arith.addf %add3A_1020, %exp3A_836 : vector<16xf32>
    %div3A_1022 = arith.constant 1.000000e+00 : f32
    %div3A_1023 = vector.broadcast %div3A_1022 : f32 to vector<16xf32>
    %div3A_1024 = arith.divf %div3A_1023, %add3A_1021 : vector<16xf32>
    %add3A_1025 = arith.constant 1.000000e+00 : f32
    %add3A_1026 = vector.broadcast %add3A_1025 : f32 to vector<16xf32>
    %add3A_1027 = arith.addf %add3A_1026, %exp3A_840 : vector<16xf32>
    %div3A_1028 = arith.constant 1.000000e+00 : f32
    %div3A_1029 = vector.broadcast %div3A_1028 : f32 to vector<16xf32>
    %div3A_1030 = arith.divf %div3A_1029, %add3A_1027 : vector<16xf32>
    %add3A_1031 = arith.constant 1.000000e+00 : f32
    %add3A_1032 = vector.broadcast %add3A_1031 : f32 to vector<16xf32>
    %add3A_1033 = arith.addf %add3A_1032, %exp3A_844 : vector<16xf32>
    %div3A_1034 = arith.constant 1.000000e+00 : f32
    %div3A_1035 = vector.broadcast %div3A_1034 : f32 to vector<16xf32>
    %div3A_1036 = arith.divf %div3A_1035, %add3A_1033 : vector<16xf32>
    %swap3A_1037 = arith.constant 512 : index
    %swap3A_1038 = tpu.vector_load %arg7[%swap3A_1037] {strides = array<i32>} : memref<1024xf32, #tpu.memory_space<vmem>>, vector<16xf32>,
    %swap3A_1039 = vector.shape_cast %swap3A_1038 : vector<16xf32> to vector<16xf32>
    %swap3A_1040 = vector.shape_cast %div3A_850 : vector<16xf32> to vector<16xf32>
    tpu.vector_store %arg7[%swap3A_1037], %swap3A_1040 {strides = array<i32>} : memref<1024xf32, #tpu.memory_space<vmem>>, vector<16xf32>,
    %swap3A_1041 = arith.constant 528 : index
    %swap3A_1042 = tpu.vector_load %arg7[%swap3A_1041] {strides = array<i32>} : memref<1024xf32, #tpu.memory_space<vmem>>, vector<16xf32>,
    %swap3A_1043 = vector.shape_cast %swap3A_1042 : vector<16xf32> to vector<16xf32>
    %swap3A_1044 = vector.shape_cast %div3A_856 : vector<16xf32> to vector<16xf32>
    tpu.vector_store %arg7[%swap3A_1041], %swap3A_1044 {strides = array<i32>} : memref<1024xf32, #tpu.memory_space<vmem>>, vector<16xf32>,
    %swap3A_1045 = arith.constant 544 : index
    %swap3A_1046 = tpu.vector_load %arg7[%swap3A_1045] {strides = array<i32>} : memref<1024xf32, #tpu.memory_space<vmem>>, vector<16xf32>,
    %swap3A_1047 = vector.shape_cast %swap3A_1046 : vector<16xf32> to vector<16xf32>
    %swap3A_1048 = vector.shape_cast %div3A_862 : vector<16xf32> to vector<16xf32>
    tpu.vector_store %arg7[%swap3A_1045], %swap3A_1048 {strides = array<i32>} : memref<1024xf32, #tpu.memory_space<vmem>>, vector<16xf32>,
    %swap3A_1049 = arith.constant 560 : index
    %swap3A_1050 = tpu.vector_load %arg7[%swap3A_1049] {strides = array<i32>} : memref<1024xf32, #tpu.memory_space<vmem>>, vector<16xf32>,
    %swap3A_1051 = vector.shape_cast %swap3A_1050 : vector<16xf32> to vector<16xf32>
    %swap3A_1052 = vector.shape_cast %div3A_868 : vector<16xf32> to vector<16xf32>
    tpu.vector_store %arg7[%swap3A_1049], %swap3A_1052 {strides = array<i32>} : memref<1024xf32, #tpu.memory_space<vmem>>, vector<16xf32>,
    %swap3A_1053 = arith.constant 576 : index
    %swap3A_1054 = tpu.vector_load %arg7[%swap3A_1053] {strides = array<i32>} : memref<1024xf32, #tpu.memory_space<vmem>>, vector<16xf32>,
    %swap3A_1055 = vector.shape_cast %swap3A_1054 : vector<16xf32> to vector<16xf32>
    %swap3A_1056 = vector.shape_cast %div3A_874 : vector<16xf32> to vector<16xf32>
    tpu.vector_store %arg7[%swap3A_1053], %swap3A_1056 {strides = array<i32>} : memref<1024xf32, #tpu.memory_space<vmem>>, vector<16xf32>,
    %swap3A_1057 = arith.constant 592 : index
    %swap3A_1058 = tpu.vector_load %arg7[%swap3A_1057] {strides = array<i32>} : memref<1024xf32, #tpu.memory_space<vmem>>, vector<16xf32>,
    %swap3A_1059 = vector.shape_cast %swap3A_1058 : vector<16xf32> to vector<16xf32>
    %swap3A_1060 = vector.shape_cast %div3A_880 : vector<16xf32> to vector<16xf32>
    tpu.vector_store %arg7[%swap3A_1057], %swap3A_1060 {strides = array<i32>} : memref<1024xf32, #tpu.memory_space<vmem>>, vector<16xf32>,
    %swap3A_1061 = arith.constant 608 : index
    %swap3A_1062 = tpu.vector_load %arg7[%swap3A_1061] {strides = array<i32>} : memref<1024xf32, #tpu.memory_space<vmem>>, vector<16xf32>,
    %swap3A_1063 = vector.shape_cast %swap3A_1062 : vector<16xf32> to vector<16xf32>
    %swap3A_1064 = vector.shape_cast %div3A_886 : vector<16xf32> to vector<16xf32>
    tpu.vector_store %arg7[%swap3A_1061], %swap3A_1064 {strides = array<i32>} : memref<1024xf32, #tpu.memory_space<vmem>>, vector<16xf32>,
    %swap3A_1065 = arith.constant 624 : index
    %swap3A_1066 = tpu.vector_load %arg7[%swap3A_1065] {strides = array<i32>} : memref<1024xf32, #tpu.memory_space<vmem>>, vector<16xf32>,
    %swap3A_1067 = vector.shape_cast %swap3A_1066 : vector<16xf32> to vector<16xf32>
    %swap3A_1068 = vector.shape_cast %div3A_892 : vector<16xf32> to vector<16xf32>
    tpu.vector_store %arg7[%swap3A_1065], %swap3A_1068 {strides = array<i32>} : memref<1024xf32, #tpu.memory_space<vmem>>, vector<16xf32>,
    %swap3A_1069 = arith.constant 640 : index
    %swap3A_1070 = tpu.vector_load %arg7[%swap3A_1069] {strides = array<i32>} : memref<1024xf32, #tpu.memory_space<vmem>>, vector<16xf32>,
    %swap3A_1071 = vector.shape_cast %swap3A_1070 : vector<16xf32> to vector<16xf32>
    %swap3A_1072 = vector.shape_cast %div3A_898 : vector<16xf32> to vector<16xf32>
    tpu.vector_store %arg7[%swap3A_1069], %swap3A_1072 {strides = array<i32>} : memref<1024xf32, #tpu.memory_space<vmem>>, vector<16xf32>,
    %swap3A_1073 = arith.constant 656 : index
    %swap3A_1074 = tpu.vector_load %arg7[%swap3A_1073] {strides = array<i32>} : memref<1024xf32, #tpu.memory_space<vmem>>, vector<16xf32>,
    %swap3A_1075 = vector.shape_cast %swap3A_1074 : vector<16xf32> to vector<16xf32>
    %swap3A_1076 = vector.shape_cast %div3A_904 : vector<16xf32> to vector<16xf32>
    tpu.vector_store %arg7[%swap3A_1073], %swap3A_1076 {strides = array<i32>} : memref<1024xf32, #tpu.memory_space<vmem>>, vector<16xf32>,
    %swap3A_1077 = arith.constant 672 : index
    %swap3A_1078 = tpu.vector_load %arg7[%swap3A_1077] {strides = array<i32>} : memref<1024xf32, #tpu.memory_space<vmem>>, vector<16xf32>,
    %swap3A_1079 = vector.shape_cast %swap3A_1078 : vector<16xf32> to vector<16xf32>
    %swap3A_1080 = vector.shape_cast %div3A_910 : vector<16xf32> to vector<16xf32>
    tpu.vector_store %arg7[%swap3A_1077], %swap3A_1080 {strides = array<i32>} : memref<1024xf32, #tpu.memory_space<vmem>>, vector<16xf32>,
    %swap3A_1081 = arith.constant 688 : index
    %swap3A_1082 = tpu.vector_load %arg7[%swap3A_1081] {strides = array<i32>} : memref<1024xf32, #tpu.memory_space<vmem>>, vector<16xf32>,
    %swap3A_1083 = vector.shape_cast %swap3A_1082 : vector<16xf32> to vector<16xf32>
    %swap3A_1084 = vector.shape_cast %div3A_916 : vector<16xf32> to vector<16xf32>
    tpu.vector_store %arg7[%swap3A_1081], %swap3A_1084 {strides = array<i32>} : memref<1024xf32, #tpu.memory_space<vmem>>, vector<16xf32>,
    %swap3A_1085 = arith.constant 704 : index
    %swap3A_1086 = tpu.vector_load %arg7[%swap3A_1085] {strides = array<i32>} : memref<1024xf32, #tpu.memory_space<vmem>>, vector<16xf32>,
    %swap3A_1087 = vector.shape_cast %swap3A_1086 : vector<16xf32> to vector<16xf32>
    %swap3A_1088 = vector.shape_cast %div3A_922 : vector<16xf32> to vector<16xf32>
    tpu.vector_store %arg7[%swap3A_1085], %swap3A_1088 {strides = array<i32>} : memref<1024xf32, #tpu.memory_space<vmem>>, vector<16xf32>,
    %swap3A_1089 = arith.constant 720 : index
    %swap3A_1090 = tpu.vector_load %arg7[%swap3A_1089] {strides = array<i32>} : memref<1024xf32, #tpu.memory_space<vmem>>, vector<16xf32>,
    %swap3A_1091 = vector.shape_cast %swap3A_1090 : vector<16xf32> to vector<16xf32>
    %swap3A_1092 = vector.shape_cast %div3A_928 : vector<16xf32> to vector<16xf32>
    tpu.vector_store %arg7[%swap3A_1089], %swap3A_1092 {strides = array<i32>} : memref<1024xf32, #tpu.memory_space<vmem>>, vector<16xf32>,
    %swap3A_1093 = arith.constant 736 : index
    %swap3A_1094 = tpu.vector_load %arg7[%swap3A_1093] {strides = array<i32>} : memref<1024xf32, #tpu.memory_space<vmem>>, vector<16xf32>,
    %swap3A_1095 = vector.shape_cast %swap3A_1094 : vector<16xf32> to vector<16xf32>
    %swap3A_1096 = vector.shape_cast %div3A_934 : vector<16xf32> to vector<16xf32>
    tpu.vector_store %arg7[%swap3A_1093], %swap3A_1096 {strides = array<i32>} : memref<1024xf32, #tpu.memory_space<vmem>>, vector<16xf32>,
    %swap3A_1097 = arith.constant 752 : index
    %swap3A_1098 = tpu.vector_load %arg7[%swap3A_1097] {strides = array<i32>} : memref<1024xf32, #tpu.memory_space<vmem>>, vector<16xf32>,
    %swap3A_1099 = vector.shape_cast %swap3A_1098 : vector<16xf32> to vector<16xf32>
    %swap3A_1100 = vector.shape_cast %div3A_940 : vector<16xf32> to vector<16xf32>
    tpu.vector_store %arg7[%swap3A_1097], %swap3A_1100 {strides = array<i32>} : memref<1024xf32, #tpu.memory_space<vmem>>, vector<16xf32>,
    %swap3A_1101 = arith.constant 768 : index
    %swap3A_1102 = tpu.vector_load %arg7[%swap3A_1101] {strides = array<i32>} : memref<1024xf32, #tpu.memory_space<vmem>>, vector<16xf32>,
    %swap3A_1103 = vector.shape_cast %swap3A_1102 : vector<16xf32> to vector<16xf32>
    %swap3A_1104 = vector.shape_cast %div3A_946 : vector<16xf32> to vector<16xf32>
    tpu.vector_store %arg7[%swap3A_1101], %swap3A_1104 {strides = array<i32>} : memref<1024xf32, #tpu.memory_space<vmem>>, vector<16xf32>,
    %swap3A_1105 = arith.constant 784 : index
    %swap3A_1106 = tpu.vector_load %arg7[%swap3A_1105] {strides = array<i32>} : memref<1024xf32, #tpu.memory_space<vmem>>, vector<16xf32>,
    %swap3A_1107 = vector.shape_cast %swap3A_1106 : vector<16xf32> to vector<16xf32>
    %swap3A_1108 = vector.shape_cast %div3A_952 : vector<16xf32> to vector<16xf32>
    tpu.vector_store %arg7[%swap3A_1105], %swap3A_1108 {strides = array<i32>} : memref<1024xf32, #tpu.memory_space<vmem>>, vector<16xf32>,
    %swap3A_1109 = arith.constant 800 : index
    %swap3A_1110 = tpu.vector_load %arg7[%swap3A_1109] {strides = array<i32>} : memref<1024xf32, #tpu.memory_space<vmem>>, vector<16xf32>,
    %swap3A_1111 = vector.shape_cast %swap3A_1110 : vector<16xf32> to vector<16xf32>
    %swap3A_1112 = vector.shape_cast %div3A_958 : vector<16xf32> to vector<16xf32>
    tpu.vector_store %arg7[%swap3A_1109], %swap3A_1112 {strides = array<i32>} : memref<1024xf32, #tpu.memory_space<vmem>>, vector<16xf32>,
    %swap3A_1113 = arith.constant 816 : index
    %swap3A_1114 = tpu.vector_load %arg7[%swap3A_1113] {strides = array<i32>} : memref<1024xf32, #tpu.memory_space<vmem>>, vector<16xf32>,
    %swap3A_1115 = vector.shape_cast %swap3A_1114 : vector<16xf32> to vector<16xf32>
    %swap3A_1116 = vector.shape_cast %div3A_964 : vector<16xf32> to vector<16xf32>
    tpu.vector_store %arg7[%swap3A_1113], %swap3A_1116 {strides = array<i32>} : memref<1024xf32, #tpu.memory_space<vmem>>, vector<16xf32>,
    %swap3A_1117 = arith.constant 832 : index
    %swap3A_1118 = tpu.vector_load %arg7[%swap3A_1117] {strides = array<i32>} : memref<1024xf32, #tpu.memory_space<vmem>>, vector<16xf32>,
    %swap3A_1119 = vector.shape_cast %swap3A_1118 : vector<16xf32> to vector<16xf32>
    %swap3A_1120 = vector.shape_cast %div3A_970 : vector<16xf32> to vector<16xf32>
    tpu.vector_store %arg7[%swap3A_1117], %swap3A_1120 {strides = array<i32>} : memref<1024xf32, #tpu.memory_space<vmem>>, vector<16xf32>,
    %swap3A_1121 = arith.constant 848 : index
    %swap3A_1122 = tpu.vector_load %arg7[%swap3A_1121] {strides = array<i32>} : memref<1024xf32, #tpu.memory_space<vmem>>, vector<16xf32>,
    %swap3A_1123 = vector.shape_cast %swap3A_1122 : vector<16xf32> to vector<16xf32>
    %swap3A_1124 = vector.shape_cast %div3A_976 : vector<16xf32> to vector<16xf32>
    tpu.vector_store %arg7[%swap3A_1121], %swap3A_1124 {strides = array<i32>} : memref<1024xf32, #tpu.memory_space<vmem>>, vector<16xf32>,
    %swap3A_1125 = arith.constant 864 : index
    %swap3A_1126 = tpu.vector_load %arg7[%swap3A_1125] {strides = array<i32>} : memref<1024xf32, #tpu.memory_space<vmem>>, vector<16xf32>,
    %swap3A_1127 = vector.shape_cast %swap3A_1126 : vector<16xf32> to vector<16xf32>
    %swap3A_1128 = vector.shape_cast %div3A_982 : vector<16xf32> to vector<16xf32>
    tpu.vector_store %arg7[%swap3A_1125], %swap3A_1128 {strides = array<i32>} : memref<1024xf32, #tpu.memory_space<vmem>>, vector<16xf32>,
    %swap3A_1129 = arith.constant 880 : index
    %swap3A_1130 = tpu.vector_load %arg7[%swap3A_1129] {strides = array<i32>} : memref<1024xf32, #tpu.memory_space<vmem>>, vector<16xf32>,
    %swap3A_1131 = vector.shape_cast %swap3A_1130 : vector<16xf32> to vector<16xf32>
    %swap3A_1132 = vector.shape_cast %div3A_988 : vector<16xf32> to vector<16xf32>
    tpu.vector_store %arg7[%swap3A_1129], %swap3A_1132 {strides = array<i32>} : memref<1024xf32, #tpu.memory_space<vmem>>, vector<16xf32>,
    %swap3A_1133 = arith.constant 896 : index
    %swap3A_1134 = tpu.vector_load %arg7[%swap3A_1133] {strides = array<i32>} : memref<1024xf32, #tpu.memory_space<vmem>>, vector<16xf32>,
    %swap3A_1135 = vector.shape_cast %swap3A_1134 : vector<16xf32> to vector<16xf32>
    %swap3A_1136 = vector.shape_cast %div3A_994 : vector<16xf32> to vector<16xf32>
    tpu.vector_store %arg7[%swap3A_1133], %swap3A_1136 {strides = array<i32>} : memref<1024xf32, #tpu.memory_space<vmem>>, vector<16xf32>,
    %swap3A_1137 = arith.constant 912 : index
    %swap3A_1138 = tpu.vector_load %arg7[%swap3A_1137] {strides = array<i32>} : memref<1024xf32, #tpu.memory_space<vmem>>, vector<16xf32>,
    %swap3A_1139 = vector.shape_cast %swap3A_1138 : vector<16xf32> to vector<16xf32>
    %swap3A_1140 = vector.shape_cast %div3A_1000 : vector<16xf32> to vector<16xf32>
    tpu.vector_store %arg7[%swap3A_1137], %swap3A_1140 {strides = array<i32>} : memref<1024xf32, #tpu.memory_space<vmem>>, vector<16xf32>,
    %swap3A_1141 = arith.constant 928 : index
    %swap3A_1142 = tpu.vector_load %arg7[%swap3A_1141] {strides = array<i32>} : memref<1024xf32, #tpu.memory_space<vmem>>, vector<16xf32>,
    %swap3A_1143 = vector.shape_cast %swap3A_1142 : vector<16xf32> to vector<16xf32>
    %swap3A_1144 = vector.shape_cast %div3A_1006 : vector<16xf32> to vector<16xf32>
    tpu.vector_store %arg7[%swap3A_1141], %swap3A_1144 {strides = array<i32>} : memref<1024xf32, #tpu.memory_space<vmem>>, vector<16xf32>,
    %swap3A_1145 = arith.constant 944 : index
    %swap3A_1146 = tpu.vector_load %arg7[%swap3A_1145] {strides = array<i32>} : memref<1024xf32, #tpu.memory_space<vmem>>, vector<16xf32>,
    %swap3A_1147 = vector.shape_cast %swap3A_1146 : vector<16xf32> to vector<16xf32>
    %swap3A_1148 = vector.shape_cast %div3A_1012 : vector<16xf32> to vector<16xf32>
    tpu.vector_store %arg7[%swap3A_1145], %swap3A_1148 {strides = array<i32>} : memref<1024xf32, #tpu.memory_space<vmem>>, vector<16xf32>,
    %swap3A_1149 = arith.constant 960 : index
    %swap3A_1150 = tpu.vector_load %arg7[%swap3A_1149] {strides = array<i32>} : memref<1024xf32, #tpu.memory_space<vmem>>, vector<16xf32>,
    %swap3A_1151 = vector.shape_cast %swap3A_1150 : vector<16xf32> to vector<16xf32>
    %swap3A_1152 = vector.shape_cast %div3A_1018 : vector<16xf32> to vector<16xf32>
    tpu.vector_store %arg7[%swap3A_1149], %swap3A_1152 {strides = array<i32>} : memref<1024xf32, #tpu.memory_space<vmem>>, vector<16xf32>,
    %swap3A_1153 = arith.constant 976 : index
    %swap3A_1154 = tpu.vector_load %arg7[%swap3A_1153] {strides = array<i32>} : memref<1024xf32, #tpu.memory_space<vmem>>, vector<16xf32>,
    %swap3A_1155 = vector.shape_cast %swap3A_1154 : vector<16xf32> to vector<16xf32>
    %swap3A_1156 = vector.shape_cast %div3A_1024 : vector<16xf32> to vector<16xf32>
    tpu.vector_store %arg7[%swap3A_1153], %swap3A_1156 {strides = array<i32>} : memref<1024xf32, #tpu.memory_space<vmem>>, vector<16xf32>,
    %swap3A_1157 = arith.constant 992 : index
    %swap3A_1158 = tpu.vector_load %arg7[%swap3A_1157] {strides = array<i32>} : memref<1024xf32, #tpu.memory_space<vmem>>, vector<16xf32>,
    %swap3A_1159 = vector.shape_cast %swap3A_1158 : vector<16xf32> to vector<16xf32>
    %swap3A_1160 = vector.shape_cast %div3A_1030 : vector<16xf32> to vector<16xf32>
    tpu.vector_store %arg7[%swap3A_1157], %swap3A_1160 {strides = array<i32>} : memref<1024xf32, #tpu.memory_space<vmem>>, vector<16xf32>,
    %swap3A_1161 = arith.constant 1008 : index
    %swap3A_1162 = tpu.vector_load %arg7[%swap3A_1161] {strides = array<i32>} : memref<1024xf32, #tpu.memory_space<vmem>>, vector<16xf32>,
    %swap3A_1163 = vector.shape_cast %swap3A_1162 : vector<16xf32> to vector<16xf32>
    %swap3A_1164 = vector.shape_cast %div3A_1036 : vector<16xf32> to vector<16xf32>
    tpu.vector_store %arg7[%swap3A_1161], %swap3A_1164 {strides = array<i32>} : memref<1024xf32, #tpu.memory_space<vmem>>, vector<16xf32>,
    %add3A_1165 = arith.constant 512 : i32
    %add3A_1166 = arith.addi %mul3A_0, %add3A_1165 : i32
    %dma_start3A_1167 = arith.constant 512 : i32
    %dma_start3A_1168 = tpu.memref_slice %arg7[%dma_start3A_1167] : memref<1024xf32, #tpu.memory_space<vmem>> -> memref<512xf32, #tpu.memory_space<vmem>>
    %dma_start3A_1169 = tpu.memref_slice %arg4[%add3A_1166] : memref<16384xf32, #tpu.memory_space<hbm>> -> memref<512xf32, #tpu.memory_space<hbm>>
    %dma_start3A_1170 = tpu.memref_slice %arg4[%add3A_1166] : memref<16384xf32, #tpu.memory_space<hbm>> -> memref<512xf32, #tpu.memory_space<hbm>>
    %dma_start3A_1171 = arith.constant 512 : i32
    %dma_start3A_1172 = tpu.memref_slice %arg7[%dma_start3A_1171] : memref<1024xf32, #tpu.memory_space<vmem>> -> memref<512xf32, #tpu.memory_space<vmem>>
    tpu.enqueue_dma source(%dma_start3A_1172 : memref<512xf32, #tpu.memory_space<vmem>>) target(%dma_start3A_1170 : memref<512xf32, #tpu.memory_space<hbm>>) target_semaphore(%arg10 : memref<!tpu.dma_semaphore, #tpu.memory_space<semaphore_mem>>)
    %dma_wait3A_1173 = arith.constant 0 : i32
    %dma_wait3A_1174 = tpu.memref_slice %arg7[%dma_wait3A_1173] : memref<1024xf32, #tpu.memory_space<vmem>> -> memref<512xf32, #tpu.memory_space<vmem>>
    %dma_wait3A_1175 = tpu.memref_slice %arg4[%add3A_605] : memref<16384xf32, #tpu.memory_space<hbm>> -> memref<512xf32, #tpu.memory_space<hbm>>
    %dma_wait3A_1176 = tpu.memref_slice %arg4[%add3A_605] : memref<16384xf32, #tpu.memory_space<hbm>> -> memref<512xf32, #tpu.memory_space<hbm>>
    %dma_wait3A_1177 = arith.constant 0 : i32
    %dma_wait3A_1178 = tpu.memref_slice %arg7[%dma_wait3A_1177] : memref<1024xf32, #tpu.memory_space<vmem>> -> memref<512xf32, #tpu.memory_space<vmem>>
    tpu.wait_dma2 semaphore(%arg10 : memref<!tpu.dma_semaphore, #tpu.memory_space<semaphore_mem>>) src(%dma_wait3A_1178 : memref<512xf32, #tpu.memory_space<vmem>>) dst(%dma_wait3A_1176 : memref<512xf32, #tpu.memory_space<hbm>>)
    %dma_wait3A_1179 = arith.constant 512 : i32
    %dma_wait3A_1180 = tpu.memref_slice %arg7[%dma_wait3A_1179] : memref<1024xf32, #tpu.memory_space<vmem>> -> memref<512xf32, #tpu.memory_space<vmem>>
    %dma_wait3A_1181 = tpu.memref_slice %arg4[%add3A_1166] : memref<16384xf32, #tpu.memory_space<hbm>> -> memref<512xf32, #tpu.memory_space<hbm>>
    %dma_wait3A_1182 = tpu.memref_slice %arg4[%add3A_1166] : memref<16384xf32, #tpu.memory_space<hbm>> -> memref<512xf32, #tpu.memory_space<hbm>>
    %dma_wait3A_1183 = arith.constant 512 : i32
    %dma_wait3A_1184 = tpu.memref_slice %arg7[%dma_wait3A_1183] : memref<1024xf32, #tpu.memory_space<vmem>> -> memref<512xf32, #tpu.memory_space<vmem>>
    tpu.wait_dma2 semaphore(%arg10 : memref<!tpu.dma_semaphore, #tpu.memory_space<semaphore_mem>>) src(%dma_wait3A_1184 : memref<512xf32, #tpu.memory_space<vmem>>) dst(%dma_wait3A_1182 : memref<512xf32, #tpu.memory_space<hbm>>)
    return
  }
}

</mosaic_0001>

<sc_bundles>
// kernel: kernel.3.cloned.1.call-start
scs
__scs_entry_jumppad:
0x0: {  	(pc) =	sbr.rel $0x88, $3  }
0x1: {  	(tag) =	ssettag $0x0;
	lr =	simm.s32 $0x1  }
0x2: {  	[smem:$0x3F9F] =	sst lr;
	_ =	strace $0xD0000000  }
0x3: {  	_ = 	snop  }
0x4: {  	_ = 	snop  }
0x5: {  	_ = 	snop  }
0x6: {  	_ = 	snop  }
0x7: {  	_ = 	snop  }
__scs_overlays_trampoline_lowered:
0x8: {  	[smem:$0x3FAE] =	sst s0  }
0x9: {  	[smem:$0x3FAF] =	sst s1  }
0xa: {  	[smem:$0x3FB0] =	sst s2  }
0xb: {  	[smem:$0x3FB1] =	sst s3  }
0xc: {  	[smem:$0x3FB2] =	sst s4  }
0xd: {  	[smem:$0x3FB3] =	sst s5  }
0xe: {  	[smem:$0x3FB4] =	sst s6  }
0xf: {  	[smem:$0x3FB5] =	sst s7  }
0x10: {  	[smem:$0x3FB6] =	sst s8  }
0x11: {  	[smem:$0x3FB7] =	sst s9;
	s0 =	simm.s32 @!p0 $0x0  }
0x12: {  	s1 =	sld [smem:$0x3F9D];
	s0 =	simm.s32 @p0 $0x1  }
0x13: {  	[smem:$0x3FB8] =	sst s0;
	s0 =	simm.s32 @!p1 $0x0  }
0x14: {  	s2 =	sld [smem:$0x3F9C];
	s0 =	simm.s32 @p1 $0x1  }
0x15: {  	[smem:$0x3FB9] =	sst s0;
	s0 =	simm.s32 @!p2 $0x0  }
0x16: {  	s3 =	sld [smem:$0x3FDB];
	s0 =	simm.s32 @p2 $0x1  }
0x17: {  	s4 =	simm.s32 $0x1BF5;
	[smem:$0x3FBB] =	sst s0  }
0x18: {  	s0 =	sld [smem:$0x3F9E];
	_ =	swait.ge [sflag:s4], $0x0  }
0x19: {  	s7 =	sld [smem:$0x3F9F]  }
0x1a: {  	s8 =	sadd.s32 $0xFFFFE003, lr  }
0x1b: {  	s9 =	sadd.s32 $0xFFFFFEF7, lr;
	s5 =	simm.s32 $0xFFFFFFFF;
	p2 =	slt.u32 s8, $0xFFFFF086  }
0x1c: {  	p1 =	slt.u32 s9, $0xF7A;
	s5 =	simm.s32 @!p2 $0x0  }
0x1d: {  	s5 =	simm.s32 @p1 $0x1;
	p0 =	seq.s32 s7, s2  }
0x1e: {  	s7 =	smul.u32 @!p0 $0xF7A, s2;
	p2 =	seq.s32 @!p0 s5, $0x0  }
0x1f: {  	s9 =	smul.u32 $0xF7A, s1;
	s8 =	simm.s32 @!p0 $0x1BF5;
	p2 =	por !p2, p0  }
0x20: {  	[sflag:s8] =	ssyncset.s32 @!p0 $0xFFFFF086;
	s6 =	sadd.s32 @!p0 s3, s7;
	s7 =	simm.s32 @!p0 $0x108  }
0x21: {  	s3 =	sadd.s32 s3, s9;
	s6 =	sadd.s32 @!p0 $0x88, s6;
	s7 =	simm.s32 @p2 $0x1082  }
0x22: {  	[simem:s7], [sflag:s8] =	dma.local @!p0 [hbm:s6], $0xF7A  }
0x23: {  	s9 =	sor.u32 $0xD0000000, s2;
	s6 =	simm.s32 $0x108;
	_ =	swait.ge @!p0 [sflag:s8], $0x0  }
0x24: {  	s3 =	sadd.s32 $0x88, s3;
	s6 =	simm.s32 @!p1 $0x1082;
	[sflag:s4] =	ssyncset.s32 $0xFFFFF086  }
0x25: {  	[simem:s6], [sflag:s4] =	dma.local [hbm:s3], $0xF7A  }
0x26: {  	[smem:$0x3F9F] =	sst s1;
	(tag) =	ssettag s2;
	_ =	strace s9  }
0x27: {  	s1 =	sld [smem:$0x3FAF]  }
0x28: {  	s2 =	sld [smem:$0x3FB0]  }
0x29: {  	s4 =	sld [smem:$0x3FB2]  }
0x2a: {  	p0 =	seq.s32 s5, $0x0;
	s5 =	sld [smem:$0x3FB3]  }
0x2b: {  	s6 =	sld [smem:$0x3FB4]  }
0x2c: {  	s7 =	sld [smem:$0x3FB5]  }
0x2d: {  	s3 =	simm.s32 $0x108;
	s8 =	sld [smem:$0x3FB6]  }
0x2e: {  	s3 =	simm.s32 @!p0 $0x1082;
	s9 =	sld [smem:$0x3FB7]  }
0x2f: {  	lr =	sadd.s32 s0, s3;
	s0 =	sld [smem:$0x3FAE]  }
0x30: {  	s3 =	sld [smem:$0x3FB1]  }
0x31: {  	[smem:$0x3FBA] =	sst s10  }
0x32: {  	s10 =	sld [smem:$0x3FB8];
	_ =	sdelay $0x3  }
0x33: {  	p0 =	seq.s32 s10, $0x1;
	s10 =	sld [smem:$0x3FBA];
	_ =	sdelay $0x3  }
0x34: {  	[smem:$0x3FBA] =	sst s10  }
0x35: {  	s10 =	sld [smem:$0x3FB9];
	_ =	sdelay $0x3  }
0x36: {  	p1 =	seq.s32 s10, $0x1;
	s10 =	sld [smem:$0x3FBA];
	_ =	sdelay $0x3  }
0x37: {  	[smem:$0x3FBA] =	sst s10  }
0x38: {  	s10 =	sld [smem:$0x3FBB]  }
0x39: {  	_ = 	snop;
	(pc) =	sbr.ind lr, $3  }
0x3a: {  	_ = 	snop  }
0x3b: {  	_ = 	snop  }
0x3c: {  	p2 =	seq.s32 s10, $0x1;
	s10 =	sld [smem:$0x3FBA]  }
0x3d: {  	_ =	shalt  }
0x3e: {  	_ =	shalt  }
0x3f: {  	_ =	shalt  }
0x40: {  	_ =	shalt  }
0x41: {  	_ =	shalt  }
0x42: {  	_ =	shalt  }
0x43: {  	_ =	shalt  }
0x44: {  	_ =	shalt  }
0x45: {  	_ =	shalt  }
0x46: {  	_ =	shalt  }
0x47: {  	_ =	shalt  }
0x48: {  	_ =	shalt  }
0x49: {  	_ =	shalt  }
0x4a: {  	_ =	shalt  }
0x4b: {  	_ =	shalt  }
0x4c: {  	_ =	shalt  }
0x4d: {  	_ =	shalt  }
0x4e: {  	_ =	shalt  }
0x4f: {  	_ =	shalt  }
0x50: {  	_ =	shalt  }
0x51: {  	_ =	shalt  }
0x52: {  	_ =	shalt  }
0x53: {  	_ =	shalt  }
0x54: {  	_ =	shalt  }
0x55: {  	_ =	shalt  }
0x56: {  	_ =	shalt  }
0x57: {  	_ =	shalt  }
0x58: {  	_ =	shalt  }
0x59: {  	_ =	shalt  }
0x5a: {  	_ =	shalt  }
0x5b: {  	_ =	shalt  }
0x5c: {  	_ =	shalt  }
0x5d: {  	_ =	shalt  }
0x5e: {  	_ =	shalt  }
0x5f: {  	_ =	shalt  }
0x60: {  	_ =	shalt  }
0x61: {  	_ =	shalt  }
0x62: {  	_ =	shalt  }
0x63: {  	_ =	shalt  }
0x64: {  	_ =	shalt  }
0x65: {  	_ =	shalt  }
0x66: {  	_ =	shalt  }
0x67: {  	_ =	shalt  }
0x68: {  	_ =	shalt  }
0x69: {  	_ =	shalt  }
0x6a: {  	_ =	shalt  }
0x6b: {  	_ =	shalt  }
0x6c: {  	_ =	shalt  }
0x6d: {  	_ =	shalt  }
0x6e: {  	_ =	shalt  }
0x6f: {  	_ =	shalt  }
0x70: {  	_ =	shalt  }
0x71: {  	_ =	shalt  }
0x72: {  	_ =	shalt  }
0x73: {  	_ =	shalt  }
0x74: {  	_ =	shalt  }
0x75: {  	_ =	shalt  }
0x76: {  	_ =	shalt  }
0x77: {  	_ =	shalt  }
0x78: {  	_ =	shalt  }
0x79: {  	_ =	shalt  }
0x7a: {  	_ =	shalt  }
0x7b: {  	_ =	shalt  }
0x7c: {  	_ =	shalt  }
0x7d: {  	_ =	shalt  }
0x7e: {  	_ =	shalt  }
0x7f: {  	_ =	shalt  }
0x80: {  	_ =	shalt  }
0x81: {  	_ =	shalt  }
0x82: {  	_ =	shalt  }
0x83: {  	_ =	shalt  }
0x84: {  	_ =	shalt  }
0x85: {  	_ =	shalt  }
0x86: {  	_ =	shalt  }
0x87: {  	_ =	shalt  }
.Lfunc_end0:
.L_simem_size_0:
called_computation_lowered:
.L_overlay_start_0:
0x88: {  	s0 =	sld [smem:$0x3FD9]  }
0x89: {  	s1 =	sld [smem:$0x3FFE];
	_ =	sdelay $0x3  }
0x8a: {  	s0 =	sadd.s32 s1, s0  }
0x8b: {  	[smem:$0x3FC6] =	sst s0  }
0x8c: {  	_ = 	snop  }
0x8d: {  	s0 =	sld [smem:$0x3FC9]  }
0x8e: {  	s16 =	sld [smem:$0x3FD0];
	(tm) =	ssettm $0x1  }
0x8f: {  	s2 =	sld [smem:$0x3FFB];
	_ =	sdelay $0x3  }
0x90: {  	_ =	strace s2  }
0x91: {  	s2 =	sld [smem:$0x3FFC];
	_ =	sdelay $0x3  }
0x92: {  	_ =	strace s2  }
0x93: {  	s2 =	sld [smem:$0x3FFD];
	_ =	sdelay $0x3  }
0x94: {  	_ =	strace s2  }
0x95: {  	_ =	strace $0x8FFFFFFF  }
0x96: {  	s17 =	sld [smem:$0x3FDB];
	_ =	sdelay $0x1  }
0x97: {  	s3 =	simm.s32 $_scs_section_size  }
0x98: {  	s4 =	simm.s32 $_size__tile_overlayer_lowered;
	s5 =	simm.s32 $_tile_overlayer_lowered  }
0x99: {  	s20 =	simm.s32 $0x1BFF;
	s19 =	sshll.u32 s5, $0x1;
	s2 =	sadd.s32 s3, s17  }
0x9a: {  	s6 =	simm.s32 $0x0;
	s18 =	sshll.u32 s4, $0x1;
	s4 =	sadd.s32 s19, s2  }
0x9b: {  	[timem:s6], [sflag:s20] =	dma.local [hbm:s4], s18  }
0x9c: {  	_ =	swait.ge [sflag:s20], s18  }
0x9d: {  	s3 =	ssub.s32 $0x0, s18;
	[sflag:s20] =	ssyncset.done $0x0  }
0x9e: {  	[sflag:s20] =	ssyncadd.s32 s3;
	_ =	sdelay $0x1  }
0x9f: {  	s21 =	simm.s32 $0x1B8B  }
0xa0: {  	_ =	swait.ge [sflag:s21], $0x1  }
0xa1: {  	[sflag:s21] =	ssyncset.done $0x0  }
0xa2: {  	s23 =	simm.s32 $0x1B8E;
	s22 =	sld [smem:$0x3FFE];
	[sflag:s21] =	ssyncadd.s32 $0xFFFFFFFF  }
0xa3: {  	s24 =	simm.s32 $execute0_lowered;
	[smem:$0x3FD2] =	sst s23  }
0xa4: {  	s4 =	sshll.u32 s24, $0x1;
	_ =	strace $0x80000046;
	[dreg:$0x1] =	wrdreg $0xFFFFFFFF  }
0xa5: {  	s25 =	simm.s32 $_size_execute0_lowered;
	s2 =	sadd.s32 s2, s4;
	[dreg:$0x0] =	wrdreg $0x0  }
0xa6: {  	s4 =	sshll.u32 s25, $0x1;
	[dreg:$0x2] =	wrdreg s2  }
0xa7: {  	[dreg:$0x3] =	wrdreg s4  }
0xa8: {  	[dreg:$0x4] =	wrdreg $0xC0  }
0xa9: {  	_ =	task [dreg:s6], $0x5FFFF  }
0xaa: {  	[dreg:$0x1] =	wrdreg $0xFFFFFFFF  }
0xab: {  	[dreg:$0x0] =	wrdreg $0x60  }
0xac: {  	[dreg:$0x2] =	wrdreg s0  }
0xad: {  	[dreg:$0x3] =	wrdreg s22  }
0xae: {  	[dreg:$0x4] =	wrdreg s16  }
0xaf: {  	[dreg:$0x5] =	wrdreg $0x9  }
0xb0: {  	_ =	task.clear_ibuf [dreg:s6], $0x6FFFF;
	_ =	strace $0x90000046  }
0xb1: {  	s26 =	simm.s32 $0x9;
	_ =	strace $0x80000048  }
0xb2: {  	_ =	swait.ge [sflag:s26], $0x1  }
0xb3: {  	[sflag:s26] =	ssyncadd.s32 $0xFFFFFFFF  }
0xb4: {  	_ =	strace $0x90000048  }
0xb5: {  	_ =	sfence  }
0xb6: {  	s28 =	sld [smem:$0x0];
	_ =	sdelay $0x1  }
0xb7: {  	s29 =	srdreg.scid  }
0xb8: {  	s30 =	sshll.u32 s29, $0xD;
	s31 =	sshrl.u32 s29, $0x2  }
0xb9: {  	s1 =	sand.u32 $0x1, s29;
	s2 =	sand.u32 $0x4000, s30;
	s0 =	sadd.s32 s31, s28  }
0xba: {  	s1 =	sor.u32 s2, s1;
	s0 =	sshll.u32 s0, $0x11  }
0xbb: {  	s0 =	sor.u32 s0, s1  }
0xbc: {  	s0 =	sadd.s32 $0x8F2B, s0  }
0xbd: {  	[sflag:s0] =	ssyncadd.remote.s32 $0x1  }
0xbe: {  	_ =	sfence.sel $0xFFFF  }
0xbf: {  	[dreg:$0x0] =	wrdreg $0xFFFFFFFF;
	(pc) =	sbr.abs _section_cstart, $3  }
0xc0: {  	[dreg:$0x1] =	wrdreg $0xFFFFFFFF  }
0xc1: {  	_ =	task.clear_ibuf [dreg:s6], $0x2FFFF;
	_ =	strace $0x9FFFFFFF  }
0xc2: {  	(tm) =	ssettm $0x7FFFFFFF  }
0xc3: {  	_ =	shalt  }
tec
execute0_lowered:
.L_overlay_start_1:
0x0: {  	(tag) =	ssettag $0x1  }
0x1: {  	s6 =	rddreg [dreg:$0x0]  }
0x2: {  	s7 =	rddreg [dreg:$0x1]  }
0x3: {  	s3 =	rddreg [dreg:$0x2]  }
0x4: {  	s0 =	rddreg [dreg:$0x3];
	s2 =	simm.s32 $0x0;
	s1 =	stileid.u32  }
0x5: {  	[smem:$0x7FF] =	sst s2;
	s5 =	sshll.u32 s1, $0x7  }
0x6: {  	_ =	strace $0x80000047;
	s8 =	sadd.s32 s6, s5;
	s4 =	sor.u32 $0x40, s5  }
0x7: {  	[tilespmem:s2], [sflag:$0x1] =	stream.linear.gather [hbm4b:s8+s2], $0x200, $0x38;
	[tilespmem:$0xC00] =	vst v63  }
0x8: {  	s21 =	simm.s32 $0x200;
	s22 =	simm.s32 $0x1;
	s6 =	sadd.s32 s6, s4  }
0x9: {  	[tilespmem:s21], [sflag:$0x2] =	stream.linear.gather [hbm4b:s6+s2], $0x200, $0x38;
	[tilespmem:$0xC00] =	vst v63  }
0xa: {  	_ =	swait.ge [sflag:s22], $0x200  }
0xb: {  	[sflag:s22] =	ssyncset.done $0x0  }
0xc: {  	s23 =	simm.s32 $0x400;
	s24 =	simm.s32 $0x2;
	[sflag:s22] =	ssyncadd.s32 $0xFFFFFE00  }
0xd: {  	[tilespmem:s23], [sflag:$0x3] =	stream.indirect.gather [hbm4b:s7+s21], $0x1, s2, s21, $0xb8;
	[tilespmem:$0xC00] =	vst v63  }
0xe: {  	_ =	swait.ge [sflag:s24], $0x200  }
0xf: {  	[sflag:s24] =	ssyncset.done $0x0  }
0x10: {  	s25 =	simm.s32 $0x600;
	s26 =	simm.s32 $0x3;
	[sflag:s24] =	ssyncadd.s32 $0xFFFFFE00  }
0x11: {  	[tilespmem:s25], [sflag:$0x4] =	stream.indirect.gather [hbm4b:s7+s21], $0x1, s21, s21, $0xb8;
	[tilespmem:$0xC00] =	vst v63  }
0x12: {  	_ =	swait.ge [sflag:s26], $0x200  }
0x13: {  	[sflag:s26] =	ssyncset.done $0x0  }
0x14: {  	[sflag:s26] =	ssyncadd.s32 $0xFFFFFE00  }
0x15: {  	v0 =	vld [tilespmem:$0x400]  }
0x16: {  	v1 =	vld [tilespmem:$0x410]  }
0x17: {  	v2 =	vld [tilespmem:$0x420]  }
0x18: {  	v3 =	vld [tilespmem:$0x430]  }
0x19: {  	v4 =	vld [tilespmem:$0x440]  }
0x1a: {  	v5 =	vld [tilespmem:$0x450];
	v0 =	vsub.f32 $0.0e+00, v0  }
0x1b: {  	v6 =	vld [tilespmem:$0x460];
	v1 =	vsub.f32 $0.0e+00, v1  }
0x1c: {  	v7 =	vld [tilespmem:$0x470];
	v2 =	vsub.f32 $0.0e+00, v2;
	v0 =	vmul.f32 $1.442695020e+00, v0  }
0x1d: {  	v8 =	vld [tilespmem:$0x480];
	v3 =	vsub.f32 $0.0e+00, v3;
	v1 =	vmul.f32 $1.442695020e+00, v1  }
0x1e: {  	v9 =	vld [tilespmem:$0x490];
	v62 =	vsub.f32 $0.0e+00, v4;
	v61 =	vmul.f32 $1.442695020e+00, v2;
	(erf) = vpow2.f32 v0  }
0x1f: {  	v63 =	vld [tilespmem:$0x4A0];
	v12 =	vsub.f32 $0.0e+00, v5;
	v11 =	vmul.f32 $1.442695020e+00, v3;
	(erf) = vpow2.f32 v1  }
0x20: {  	v13 =	vld [tilespmem:$0x4B0];
	v15 =	vsub.f32 $0.0e+00, v6;
	v14 =	vmul.f32 $1.442695020e+00, v62;
	(erf) = vpow2.f32 v61  }
0x21: {  	v16 =	vld [tilespmem:$0x4C0];
	v18 =	vsub.f32 $0.0e+00, v7;
	v17 =	vmul.f32 $1.442695020e+00, v12;
	(erf) = vpow2.f32 v11  }
0x22: {  	v19 =	vld [tilespmem:$0x4D0];
	v21 =	vsub.f32 $0.0e+00, v8;
	v20 =	vmul.f32 $1.442695020e+00, v15;
	(erf) = vpow2.f32 v14  }
0x23: {  	v22 =	vld [tilespmem:$0x4E0];
	v24 =	vsub.f32 $0.0e+00, v9;
	v23 =	vmul.f32 $1.442695020e+00, v18;
	(erf) = vpow2.f32 v17  }
0x24: {  	v25 =	vld [tilespmem:$0x4F0];
	v27 =	vsub.f32 $0.0e+00, v63;
	v26 =	vmul.f32 $1.442695020e+00, v21;
	(erf) = vpow2.f32 v20  }
0x25: {  	v28 =	vld [tilespmem:$0x500];
	v30 =	vsub.f32 $0.0e+00, v13;
	v29 =	vmul.f32 $1.442695020e+00, v24;
	(erf) = vpow2.f32 v23  }
0x26: {  	v31 =	vld [tilespmem:$0x510];
	v33 =	vsub.f32 $0.0e+00, v16;
	v32 =	vmul.f32 $1.442695020e+00, v27;
	(erf) = vpow2.f32 v26  }
0x27: {  	v34 =	vld [tilespmem:$0x520];
	v36 =	vsub.f32 $0.0e+00, v19;
	v35 =	vmul.f32 $1.442695020e+00, v30;
	v10 =	vpop (erf);
	(erf) = vpow2.f32 v29  }
0x28: {  	v37 =	vld [tilespmem:$0x530];
	v39 =	vsub.f32 $0.0e+00, v22;
	v38 =	vmul.f32 $1.442695020e+00, v33;
	v11 =	vpop (erf);
	(erf) = vpow2.f32 v32  }
0x29: {  	v40 =	vld [tilespmem:$0x540];
	v42 =	vsub.f32 $0.0e+00, v25;
	v41 =	vmul.f32 $1.442695020e+00, v36;
	v12 =	vpop (erf);
	(erf) = vpow2.f32 v35  }
0x2a: {  	v43 =	vld [tilespmem:$0x550];
	v45 =	vsub.f32 $0.0e+00, v28;
	v44 =	vmul.f32 $1.442695020e+00, v39;
	v13 =	vpop (erf);
	(erf) = vpow2.f32 v38  }
0x2b: {  	v46 =	vld [tilespmem:$0x560];
	v48 =	vsub.f32 $0.0e+00, v31;
	v47 =	vmul.f32 $1.442695020e+00, v42;
	v14 =	vpop (erf);
	(erf) = vpow2.f32 v41  }
0x2c: {  	v49 =	vld [tilespmem:$0x570];
	v51 =	vsub.f32 $0.0e+00, v34;
	v50 =	vmul.f32 $1.442695020e+00, v45;
	v15 =	vpop (erf);
	(erf) = vpow2.f32 v44  }
0x2d: {  	v52 =	vld [tilespmem:$0x580];
	v54 =	vsub.f32 $0.0e+00, v37;
	v53 =	vmul.f32 $1.442695020e+00, v48;
	v16 =	vpop (erf);
	(erf) = vpow2.f32 v47  }
0x2e: {  	v55 =	vld [tilespmem:$0x590];
	v57 =	vsub.f32 $0.0e+00, v40;
	v56 =	vmul.f32 $1.442695020e+00, v51;
	v17 =	vpop (erf);
	(erf) = vpow2.f32 v50  }
0x2f: {  	v58 =	vld [tilespmem:$0x5A0];
	v60 =	vsub.f32 $0.0e+00, v43;
	v59 =	vmul.f32 $1.442695020e+00, v54;
	v18 =	vpop (erf);
	(erf) = vpow2.f32 v53  }
0x30: {  	v63 =	vsub.f32 $0.0e+00, v46;
	v62 =	vmul.f32 $1.442695020e+00, v57;
	v61 =	vld [tilespmem:$0x5B0];
	v19 =	vpop (erf);
	(erf) = vpow2.f32 v56  }
0x31: {  	v24 =	vld [tilespmem:$0x5C0];
	v25 =	vmul.f32 $1.442695020e+00, v60;
	v26 =	vsub.f32 $0.0e+00, v49;
	v20 =	vpop (erf);
	(erf) = vpow2.f32 v59  }
0x32: {  	v27 =	vld [tilespmem:$0x5D0];
	v28 =	vmul.f32 $1.442695020e+00, v63;
	v29 =	vsub.f32 $0.0e+00, v52;
	v21 =	vpop (erf);
	(erf) = vpow2.f32 v62  }
0x33: {  	v30 =	vld [tilespmem:$0x5E0];
	v31 =	vmul.f32 $1.442695020e+00, v26;
	v32 =	vsub.f32 $0.0e+00, v55;
	v22 =	vpop (erf);
	(erf) = vpow2.f32 v25  }
0x34: {  	v33 =	vld [tilespmem:$0x5F0];
	v34 =	vmul.f32 $1.442695020e+00, v29;
	v35 =	vsub.f32 $0.0e+00, v58;
	v23 =	vpop (erf);
	(erf) = vpow2.f32 v28  }
0x35: {  	v37 =	vsub.f32 $0.0e+00, v61;
	v36 =	vmul.f32 $1.442695020e+00, v32;
	v8 =	vpop (erf);
	(erf) = vpow2.f32 v31  }
0x36: {  	v39 =	vsub.f32 $0.0e+00, v24;
	v38 =	vmul.f32 $1.442695020e+00, v35;
	v9 =	vpop (erf);
	(erf) = vpow2.f32 v34  }
0x37: {  	v40 =	vmul.f32 $1.442695020e+00, v37;
	v41 =	vsub.f32 $0.0e+00, v27;
	v4 =	vpop (erf);
	(erf) = vpow2.f32 v36  }
0x38: {  	v43 =	vsub.f32 $0.0e+00, v30;
	v42 =	vmul.f32 $1.442695020e+00, v39;
	v5 =	vpop (erf);
	(erf) = vpow2.f32 v38  }
0x39: {  	v45 =	vsub.f32 $0.0e+00, v33;
	v44 =	vmul.f32 $1.442695020e+00, v41;
	v6 =	vpop (erf);
	(erf) = vpow2.f32 v40  }
0x3a: {  	v47 =	vmul.f32 $1.442695020e+00, v43;
	v46 =	vpop (erf);
	(erf) = vpow2.f32 v42  }
0x3b: {  	v49 =	vmul.f32 $1.442695020e+00, v45;
	v48 =	vpop (erf);
	(erf) = vpow2.f32 v44  }
0x3c: {  	v51 =	vadd.f32 $1.000000000e+00, v10;
	v50 =	vpop (erf);
	(erf) = vpow2.f32 v47  }
0x3d: {  	v53 =	vadd.f32 $1.000000000e+00, v11;
	v52 =	vpop (erf);
	(erf) = vpow2.f32 v49  }
0x3e: {  	v55 =	vadd.f32 $1.000000000e+00, v12;
	v54 =	vpop (erf);
	(erf) = vrcp.f32 v51  }
0x3f: {  	v57 =	vadd.f32 $1.000000000e+00, v13;
	v56 =	vpop (erf);
	(erf) = vrcp.f32 v53  }
0x40: {  	v59 =	vadd.f32 $1.000000000e+00, v14;
	v58 =	vpop (erf);
	(erf) = vrcp.f32 v55  }
0x41: {  	v61 =	vadd.f32 $1.000000000e+00, v15;
	v60 =	vpop (erf);
	(erf) = vrcp.f32 v57  }
0x42: {  	v62 =	vadd.f32 $1.000000000e+00, v16;
	v15 =	vpop (erf);
	(erf) = vrcp.f32 v59  }
0x43: {  	v63 =	vadd.f32 $1.000000000e+00, v17;
	v16 =	vpop (erf);
	(erf) = vrcp.f32 v61  }
0x44: {  	v24 =	vadd.f32 $1.000000000e+00, v18;
	v17 =	vpop (erf);
	(erf) = vrcp.f32 v62  }
0x45: {  	v26 =	vadd.f32 $1.000000000e+00, v19;
	v25 =	vpop (erf);
	(erf) = vrcp.f32 v63  }
0x46: {  	v28 =	vadd.f32 $1.000000000e+00, v20;
	v27 =	vpop (erf);
	(erf) = vrcp.f32 v24  }
0x47: {  	v30 =	vadd.f32 $1.000000000e+00, v21;
	v29 =	vpop (erf);
	(erf) = vrcp.f32 v26  }
0x48: {  	v32 =	vadd.f32 $1.000000000e+00, v22;
	v31 =	vpop (erf);
	(erf) = vrcp.f32 v28;
	[tilespmem:$0x800] =	vst v29  }
0x49: {  	v34 =	vadd.f32 $1.000000000e+00, v23;
	v33 =	vpop (erf);
	(erf) = vrcp.f32 v30;
	[tilespmem:$0x810] =	vst v31  }
0x4a: {  	v36 =	vadd.f32 $1.000000000e+00, v8;
	v35 =	vpop (erf);
	(erf) = vrcp.f32 v32;
	[tilespmem:$0x820] =	vst v33  }
0x4b: {  	v38 =	vadd.f32 $1.000000000e+00, v9;
	v37 =	vpop (erf);
	(erf) = vrcp.f32 v34;
	[tilespmem:$0x830] =	vst v35  }
0x4c: {  	v40 =	vadd.f32 $1.000000000e+00, v4;
	v39 =	vpop (erf);
	(erf) = vrcp.f32 v36;
	[tilespmem:$0x840] =	vst v37  }
0x4d: {  	v42 =	vadd.f32 $1.000000000e+00, v5;
	v41 =	vpop (erf);
	(erf) = vrcp.f32 v38;
	[tilespmem:$0x850] =	vst v39  }
0x4e: {  	v44 =	vadd.f32 $1.000000000e+00, v6;
	v43 =	vpop (erf);
	(erf) = vrcp.f32 v40;
	[tilespmem:$0x860] =	vst v41  }
0x4f: {  	v46 =	vadd.f32 $1.000000000e+00, v46;
	v45 =	vpop (erf);
	(erf) = vrcp.f32 v42;
	[tilespmem:$0x870] =	vst v43  }
0x50: {  	v48 =	vadd.f32 $1.000000000e+00, v48;
	v47 =	vpop (erf);
	(erf) = vrcp.f32 v44;
	[tilespmem:$0x880] =	vst v45  }
0x51: {  	v50 =	vadd.f32 $1.000000000e+00, v50;
	v49 =	vpop (erf);
	(erf) = vrcp.f32 v46;
	[tilespmem:$0x890] =	vst v47  }
0x52: {  	v52 =	vadd.f32 $1.000000000e+00, v52;
	v51 =	vpop (erf);
	(erf) = vrcp.f32 v48;
	[tilespmem:$0x8A0] =	vst v49  }
0x53: {  	v54 =	vadd.f32 $1.000000000e+00, v54;
	v53 =	vpop (erf);
	(erf) = vrcp.f32 v50;
	[tilespmem:$0x8B0] =	vst v51  }
0x54: {  	v56 =	vadd.f32 $1.000000000e+00, v56;
	v55 =	vpop (erf);
	(erf) = vrcp.f32 v52;
	[tilespmem:$0x8C0] =	vst v53  }
0x55: {  	v58 =	vadd.f32 $1.000000000e+00, v58;
	v57 =	vpop (erf);
	(erf) = vrcp.f32 v54;
	[tilespmem:$0x8D0] =	vst v55  }
0x56: {  	v60 =	vadd.f32 $1.000000000e+00, v60;
	v59 =	vpop (erf);
	(erf) = vrcp.f32 v56;
	[tilespmem:$0x8E0] =	vst v57  }
0x57: {  	v62 =	vadd.f32 $1.000000000e+00, v15;
	v61 =	vpop (erf);
	(erf) = vrcp.f32 v58;
	[tilespmem:$0x8F0] =	vst v59  }
0x58: {  	v6 =	vadd.f32 $1.000000000e+00, v16;
	v63 =	vpop (erf);
	(erf) = vrcp.f32 v60;
	[tilespmem:$0x900] =	vst v61  }
0x59: {  	v8 =	vadd.f32 $1.000000000e+00, v17;
	v7 =	vpop (erf);
	(erf) = vrcp.f32 v62;
	[tilespmem:$0x910] =	vst v63  }
0x5a: {  	v10 =	vadd.f32 $1.000000000e+00, v25;
	v9 =	vpop (erf);
	(erf) = vrcp.f32 v6;
	[tilespmem:$0x920] =	vst v7  }
0x5b: {  	v12 =	vadd.f32 $1.000000000e+00, v27;
	v11 =	vpop (erf);
	(erf) = vrcp.f32 v8;
	[tilespmem:$0x930] =	vst v9  }
0x5c: {  	v13 =	vpop (erf);
	(erf) = vrcp.f32 v10;
	[tilespmem:$0x940] =	vst v11  }
0x5d: {  	v14 =	vpop (erf);
	(erf) = vrcp.f32 v12;
	[tilespmem:$0x950] =	vst v13  }
0x5e: {  	v15 =	vpop (erf);
	[tilespmem:$0x960] =	vst v14  }
0x5f: {  	v16 =	vpop (erf);
	[tilespmem:$0x970] =	vst v15  }
0x60: {  	v17 =	vpop (erf);
	[tilespmem:$0x980] =	vst v16  }
0x61: {  	v18 =	vpop (erf);
	[tilespmem:$0x990] =	vst v17  }
0x62: {  	v19 =	vpop (erf);
	[tilespmem:$0x9A0] =	vst v18  }
0x63: {  	v20 =	vpop (erf);
	[tilespmem:$0x9B0] =	vst v19  }
0x64: {  	v21 =	vpop (erf);
	[tilespmem:$0x9C0] =	vst v20  }
0x65: {  	v22 =	vpop (erf);
	[tilespmem:$0x9D0] =	vst v21  }
0x66: {  	v23 =	vpop (erf);
	[tilespmem:$0x9E0] =	vst v22  }
0x67: {  	s28 =	simm.s32 $0x800;
	s29 =	simm.s32 $0x4;
	s5 =	sadd.s32 s3, s5;
	[tilespmem:$0x9F0] =	vst v23  }
0x68: {  	[hbm4b:s5+s2] =	stream.linear.scatter [tilespmem:s28], [sflag:$0x5], $0x200, $0x38;
	[tilespmem:$0xC00] =	vst v63  }
0x69: {  	_ =	swait.ge [sflag:s29], $0x200  }
0x6a: {  	[sflag:s29] =	ssyncset.done $0x0  }
0x6b: {  	[sflag:s29] =	ssyncadd.s32 $0xFFFFFE00  }
0x6c: {  	v24 =	vld [tilespmem:$0x600]  }
0x6d: {  	v25 =	vld [tilespmem:$0x610]  }
0x6e: {  	v26 =	vld [tilespmem:$0x620]  }
0x6f: {  	v27 =	vld [tilespmem:$0x630]  }
0x70: {  	v28 =	vld [tilespmem:$0x640]  }
0x71: {  	v29 =	vld [tilespmem:$0x650];
	v0 =	vsub.f32 $0.0e+00, v24  }
0x72: {  	v30 =	vld [tilespmem:$0x660];
	v1 =	vsub.f32 $0.0e+00, v25  }
0x73: {  	v31 =	vld [tilespmem:$0x670];
	v2 =	vsub.f32 $0.0e+00, v26;
	v0 =	vmul.f32 $1.442695020e+00, v0  }
0x74: {  	v32 =	vld [tilespmem:$0x680];
	v3 =	vsub.f32 $0.0e+00, v27;
	v1 =	vmul.f32 $1.442695020e+00, v1  }
0x75: {  	v33 =	vld [tilespmem:$0x690];
	v35 =	vsub.f32 $0.0e+00, v28;
	v34 =	vmul.f32 $1.442695020e+00, v2;
	(erf) = vpow2.f32 v0  }
0x76: {  	v36 =	vld [tilespmem:$0x6A0];
	v38 =	vsub.f32 $0.0e+00, v29;
	v37 =	vmul.f32 $1.442695020e+00, v3;
	(erf) = vpow2.f32 v1  }
0x77: {  	v39 =	vld [tilespmem:$0x6B0];
	v41 =	vsub.f32 $0.0e+00, v30;
	v40 =	vmul.f32 $1.442695020e+00, v35;
	(erf) = vpow2.f32 v34  }
0x78: {  	v42 =	vld [tilespmem:$0x6C0];
	v44 =	vsub.f32 $0.0e+00, v31;
	v43 =	vmul.f32 $1.442695020e+00, v38;
	(erf) = vpow2.f32 v37  }
0x79: {  	v45 =	vld [tilespmem:$0x6D0];
	v47 =	vsub.f32 $0.0e+00, v32;
	v46 =	vmul.f32 $1.442695020e+00, v41;
	(erf) = vpow2.f32 v40  }
0x7a: {  	v48 =	vld [tilespmem:$0x6E0];
	v50 =	vsub.f32 $0.0e+00, v33;
	v49 =	vmul.f32 $1.442695020e+00, v44;
	(erf) = vpow2.f32 v43  }
0x7b: {  	v51 =	vld [tilespmem:$0x6F0];
	v53 =	vsub.f32 $0.0e+00, v36;
	v52 =	vmul.f32 $1.442695020e+00, v47;
	(erf) = vpow2.f32 v46  }
0x7c: {  	v54 =	vld [tilespmem:$0x700];
	v56 =	vsub.f32 $0.0e+00, v39;
	v55 =	vmul.f32 $1.442695020e+00, v50;
	(erf) = vpow2.f32 v49  }
0x7d: {  	v57 =	vld [tilespmem:$0x710];
	v59 =	vsub.f32 $0.0e+00, v42;
	v58 =	vmul.f32 $1.442695020e+00, v53;
	(erf) = vpow2.f32 v52  }
0x7e: {  	v60 =	vld [tilespmem:$0x720];
	v62 =	vsub.f32 $0.0e+00, v45;
	v61 =	vmul.f32 $1.442695020e+00, v56;
	v10 =	vpop (erf);
	(erf) = vpow2.f32 v55  }
0x7f: {  	v63 =	vld [tilespmem:$0x730];
	v21 =	vsub.f32 $0.0e+00, v48;
	v20 =	vmul.f32 $1.442695020e+00, v59;
	v11 =	vpop (erf);
	(erf) = vpow2.f32 v58  }
0x80: {  	v22 =	vld [tilespmem:$0x740];
	v24 =	vsub.f32 $0.0e+00, v51;
	v23 =	vmul.f32 $1.442695020e+00, v62;
	v12 =	vpop (erf);
	(erf) = vpow2.f32 v61  }
0x81: {  	v25 =	vld [tilespmem:$0x750];
	v27 =	vsub.f32 $0.0e+00, v54;
	v26 =	vmul.f32 $1.442695020e+00, v21;
	v13 =	vpop (erf);
	(erf) = vpow2.f32 v20  }
0x82: {  	v28 =	vld [tilespmem:$0x760];
	v30 =	vsub.f32 $0.0e+00, v57;
	v29 =	vmul.f32 $1.442695020e+00, v24;
	v14 =	vpop (erf);
	(erf) = vpow2.f32 v23  }
0x83: {  	v31 =	vld [tilespmem:$0x770];
	v33 =	vsub.f32 $0.0e+00, v60;
	v32 =	vmul.f32 $1.442695020e+00, v27;
	v15 =	vpop (erf);
	(erf) = vpow2.f32 v26  }
0x84: {  	v36 =	vsub.f32 $0.0e+00, v63;
	v35 =	vmul.f32 $1.442695020e+00, v30;
	v34 =	vld [tilespmem:$0x780];
	v16 =	vpop (erf);
	(erf) = vpow2.f32 v29  }
0x85: {  	v39 =	vsub.f32 $0.0e+00, v22;
	v38 =	vmul.f32 $1.442695020e+00, v33;
	v37 =	vld [tilespmem:$0x790];
	v17 =	vpop (erf);
	(erf) = vpow2.f32 v32  }
0x86: {  	v41 =	vmul.f32 $1.442695020e+00, v36;
	v42 =	vsub.f32 $0.0e+00, v25;
	v40 =	vld [tilespmem:$0x7A0];
	v18 =	vpop (erf);
	(erf) = vpow2.f32 v35  }
0x87: {  	v44 =	vmul.f32 $1.442695020e+00, v39;
	v45 =	vsub.f32 $0.0e+00, v28;
	v43 =	vld [tilespmem:$0x7B0];
	v19 =	vpop (erf);
	(erf) = vpow2.f32 v38  }
0x88: {  	v48 =	vsub.f32 $0.0e+00, v31;
	v47 =	vmul.f32 $1.442695020e+00, v42;
	v46 =	vld [tilespmem:$0x7C0];
	v20 =	vpop (erf);
	(erf) = vpow2.f32 v41  }
0x89: {  	v50 =	vmul.f32 $1.442695020e+00, v45;
	v49 =	vld [tilespmem:$0x7D0];
	v51 =	vsub.f32 $0.0e+00, v34;
	v21 =	vpop (erf);
	(erf) = vpow2.f32 v44  }
0x8a: {  	v53 =	vmul.f32 $1.442695020e+00, v48;
	v52 =	vld [tilespmem:$0x7E0];
	v54 =	vsub.f32 $0.0e+00, v37;
	v22 =	vpop (erf);
	(erf) = vpow2.f32 v47  }
0x8b: {  	v55 =	vld [tilespmem:$0x7F0];
	v56 =	vmul.f32 $1.442695020e+00, v51;
	v57 =	vsub.f32 $0.0e+00, v40;
	v23 =	vpop (erf);
	(erf) = vpow2.f32 v50  }
0x8c: {  	v58 =	vmul.f32 $1.442695020e+00, v54;
	v59 =	vsub.f32 $0.0e+00, v43;
	v8 =	vpop (erf);
	(erf) = vpow2.f32 v53  }
0x8d: {  	v60 =	vmul.f32 $1.442695020e+00, v57;
	v61 =	vsub.f32 $0.0e+00, v46;
	v9 =	vpop (erf);
	(erf) = vpow2.f32 v56  }
0x8e: {  	v62 =	vmul.f32 $1.442695020e+00, v59;
	v63 =	vsub.f32 $0.0e+00, v49;
	v4 =	vpop (erf);
	(erf) = vpow2.f32 v58  }
0x8f: {  	v24 =	vmul.f32 $1.442695020e+00, v61;
	v25 =	vsub.f32 $0.0e+00, v52;
	v5 =	vpop (erf);
	(erf) = vpow2.f32 v60  }
0x90: {  	v27 =	vmul.f32 $1.442695020e+00, v63;
	v28 =	vsub.f32 $0.0e+00, v55;
	v26 =	vpop (erf);
	(erf) = vpow2.f32 v62  }
0x91: {  	v30 =	vmul.f32 $1.442695020e+00, v25;
	v29 =	vpop (erf);
	(erf) = vpow2.f32 v24  }
0x92: {  	v32 =	vmul.f32 $1.442695020e+00, v28;
	v31 =	vpop (erf);
	(erf) = vpow2.f32 v27  }
0x93: {  	v34 =	vadd.f32 $1.000000000e+00, v10;
	v33 =	vpop (erf);
	(erf) = vpow2.f32 v30  }
0x94: {  	v36 =	vadd.f32 $1.000000000e+00, v11;
	v35 =	vpop (erf);
	(erf) = vpow2.f32 v32  }
0x95: {  	v38 =	vadd.f32 $1.000000000e+00, v12;
	v37 =	vpop (erf);
	(erf) = vrcp.f32 v34  }
0x96: {  	v40 =	vadd.f32 $1.000000000e+00, v13;
	v39 =	vpop (erf);
	(erf) = vrcp.f32 v36  }
0x97: {  	v42 =	vadd.f32 $1.000000000e+00, v14;
	v41 =	vpop (erf);
	(erf) = vrcp.f32 v38  }
0x98: {  	v44 =	vadd.f32 $1.000000000e+00, v15;
	v43 =	vpop (erf);
	(erf) = vrcp.f32 v40  }
0x99: {  	v46 =	vadd.f32 $1.000000000e+00, v16;
	v45 =	vpop (erf);
	(erf) = vrcp.f32 v42  }
0x9a: {  	v48 =	vadd.f32 $1.000000000e+00, v17;
	v47 =	vpop (erf);
	(erf) = vrcp.f32 v44  }
0x9b: {  	v50 =	vadd.f32 $1.000000000e+00, v18;
	v49 =	vpop (erf);
	(erf) = vrcp.f32 v46  }
0x9c: {  	v52 =	vadd.f32 $1.000000000e+00, v19;
	v51 =	vpop (erf);
	(erf) = vrcp.f32 v48  }
0x9d: {  	v54 =	vadd.f32 $1.000000000e+00, v20;
	v53 =	vpop (erf);
	(erf) = vrcp.f32 v50  }
0x9e: {  	v56 =	vadd.f32 $1.000000000e+00, v21;
	v55 =	vpop (erf);
	(erf) = vrcp.f32 v52  }
0x9f: {  	v58 =	vadd.f32 $1.000000000e+00, v22;
	v57 =	vpop (erf);
	(erf) = vrcp.f32 v54;
	[tilespmem:$0xA00] =	vst v55  }
0xa0: {  	v60 =	vadd.f32 $1.000000000e+00, v23;
	v59 =	vpop (erf);
	(erf) = vrcp.f32 v56;
	[tilespmem:$0xA10] =	vst v57  }
0xa1: {  	v62 =	vadd.f32 $1.000000000e+00, v8;
	v61 =	vpop (erf);
	(erf) = vrcp.f32 v58;
	[tilespmem:$0xA20] =	vst v59  }
0xa2: {  	v20 =	vadd.f32 $1.000000000e+00, v9;
	v63 =	vpop (erf);
	(erf) = vrcp.f32 v60;
	[tilespmem:$0xA30] =	vst v61  }
0xa3: {  	v22 =	vadd.f32 $1.000000000e+00, v4;
	v21 =	vpop (erf);
	(erf) = vrcp.f32 v62;
	[tilespmem:$0xA40] =	vst v63  }
0xa4: {  	v24 =	vadd.f32 $1.000000000e+00, v5;
	v23 =	vpop (erf);
	(erf) = vrcp.f32 v20;
	[tilespmem:$0xA50] =	vst v21  }
0xa5: {  	v26 =	vadd.f32 $1.000000000e+00, v26;
	v25 =	vpop (erf);
	(erf) = vrcp.f32 v22;
	[tilespmem:$0xA60] =	vst v23  }
0xa6: {  	v28 =	vadd.f32 $1.000000000e+00, v29;
	v27 =	vpop (erf);
	(erf) = vrcp.f32 v24;
	[tilespmem:$0xA70] =	vst v25  }
0xa7: {  	v30 =	vadd.f32 $1.000000000e+00, v31;
	v29 =	vpop (erf);
	(erf) = vrcp.f32 v26;
	[tilespmem:$0xA80] =	vst v27  }
0xa8: {  	v32 =	vadd.f32 $1.000000000e+00, v33;
	v31 =	vpop (erf);
	(erf) = vrcp.f32 v28;
	[tilespmem:$0xA90] =	vst v29  }
0xa9: {  	v34 =	vadd.f32 $1.000000000e+00, v35;
	v33 =	vpop (erf);
	(erf) = vrcp.f32 v30;
	[tilespmem:$0xAA0] =	vst v31  }
0xaa: {  	v36 =	vadd.f32 $1.000000000e+00, v37;
	v35 =	vpop (erf);
	(erf) = vrcp.f32 v32;
	[tilespmem:$0xAB0] =	vst v33  }
0xab: {  	v38 =	vadd.f32 $1.000000000e+00, v39;
	v37 =	vpop (erf);
	(erf) = vrcp.f32 v34;
	[tilespmem:$0xAC0] =	vst v35  }
0xac: {  	v40 =	vadd.f32 $1.000000000e+00, v41;
	v39 =	vpop (erf);
	(erf) = vrcp.f32 v36;
	[tilespmem:$0xAD0] =	vst v37  }
0xad: {  	v42 =	vadd.f32 $1.000000000e+00, v43;
	v41 =	vpop (erf);
	(erf) = vrcp.f32 v38;
	[tilespmem:$0xAE0] =	vst v39  }
0xae: {  	v44 =	vadd.f32 $1.000000000e+00, v45;
	v43 =	vpop (erf);
	(erf) = vrcp.f32 v40;
	[tilespmem:$0xAF0] =	vst v41  }
0xaf: {  	v46 =	vadd.f32 $1.000000000e+00, v47;
	v45 =	vpop (erf);
	(erf) = vrcp.f32 v42;
	[tilespmem:$0xB00] =	vst v43  }
0xb0: {  	v48 =	vadd.f32 $1.000000000e+00, v49;
	v47 =	vpop (erf);
	(erf) = vrcp.f32 v44;
	[tilespmem:$0xB10] =	vst v45  }
0xb1: {  	v50 =	vadd.f32 $1.000000000e+00, v51;
	v49 =	vpop (erf);
	(erf) = vrcp.f32 v46;
	[tilespmem:$0xB20] =	vst v47  }
0xb2: {  	v52 =	vadd.f32 $1.000000000e+00, v53;
	v51 =	vpop (erf);
	(erf) = vrcp.f32 v48;
	[tilespmem:$0xB30] =	vst v49  }
0xb3: {  	v53 =	vpop (erf);
	(erf) = vrcp.f32 v50;
	[tilespmem:$0xB40] =	vst v51  }
0xb4: {  	v54 =	vpop (erf);
	(erf) = vrcp.f32 v52;
	[tilespmem:$0xB50] =	vst v53  }
0xb5: {  	v55 =	vpop (erf);
	[tilespmem:$0xB60] =	vst v54  }
0xb6: {  	v56 =	vpop (erf);
	[tilespmem:$0xB70] =	vst v55  }
0xb7: {  	v57 =	vpop (erf);
	[tilespmem:$0xB80] =	vst v56  }
0xb8: {  	v58 =	vpop (erf);
	[tilespmem:$0xB90] =	vst v57  }
0xb9: {  	v59 =	vpop (erf);
	[tilespmem:$0xBA0] =	vst v58  }
0xba: {  	v60 =	vpop (erf);
	[tilespmem:$0xBB0] =	vst v59  }
0xbb: {  	v61 =	vpop (erf);
	[tilespmem:$0xBC0] =	vst v60  }
0xbc: {  	v62 =	vpop (erf);
	[tilespmem:$0xBD0] =	vst v61  }
0xbd: {  	v63 =	vpop (erf);
	[tilespmem:$0xBE0] =	vst v62  }
0xbe: {  	s30 =	simm.s32 $0xA00;
	s31 =	simm.s32 $0x5;
	s3 =	sadd.s32 s3, s4;
	[tilespmem:$0xBF0] =	vst v63  }
0xbf: {  	[hbm4b:s3+s2] =	stream.linear.scatter [tilespmem:s30], [sflag:$0x5], $0x200, $0x38;
	[tilespmem:$0xC00] =	vst v63  }
0xc0: {  	_ =	swait.ge [sflag:s31], $0x200  }
0xc1: {  	[sflag:s31] =	ssyncset.done $0x0  }
0xc2: {  	[sflag:s31] =	ssyncadd.s32 $0xFFFFFE00  }
0xc3: {  	_ =	swait.ge [sflag:s31], $0x200  }
0xc4: {  	[sflag:s31] =	ssyncset.done $0x0  }
0xc5: {  	[sflag:s31] =	ssyncadd.s32 $0xFFFFFE00  }
0xc6: {  	_ =	sfence.sel $0x180000  }
0xc7: {  	[bflag:$0x0] =	sbarrier.arrive $0xFFFF  }
0xc8: {  	p0 =	sne.s32 s1, $0x0;
	_ =	strace $0x90000047  }
0xc9: {  	s0 =	sadd.s32 @!p0 $0x100000, s0;
	[bflag:$0x2] =	sbarrier.arrive $0xFFFF  }
0xca: {  	[sflag:s0] =	ssyncadd.tile.s32 @!p0 $0x1;
	_ =	shalt  }
.Lfunc_end2:
_tile_overlayer_lowered:
.L_overlay_start_2:
0xcb: {  	(tag) =	ssettag $0x2  }
0xcc: {  	s0 =	rddreg [dreg:$0x0];
	s2 =	stileid.u32  }
0xcd: {  	s1 =	rddreg [dreg:$0x1];
	p0 =	sne.s32 s2, $0x0  }
0xce: {  	s3 =	rddreg [dreg:$0x2];
	[bflag:$0x3] =	sbarrier.arrive $0xFFFF;
	s2 =	simm.s32 @!p0 $0x1C06  }
0xcf: {  	[timem:s3], [sflag:s2] =	dma.local @!p0 [hbm:s0], s1  }
0xd0: {  	s0 =	simm.s32 @!p0 $0x6  }
0xd1: {  	_ =	swait.ge @!p0 [sflag:s0], s1  }
0xd2: {  	s1 =	ssub.s32 @!p0 $0x0, s1;
	[sflag:s0] =	ssyncset.done @!p0 $0x0  }
0xd3: {  	[sflag:s0] =	ssyncadd.s32 @!p0 s1  }
0xd4: {  	[bflag:$0x3] =	sbarrier.arrive $0xFFFF  }
0xd5: {  	_ =	shalt  }

</sc_bundles>
